<compile_context>
chip_gen: v7x
topology: tpu7x:2x2x1
jax: 0.10.2.dev20260603
libtpu: 0.0.44.dev20260713+nightly
codegen_flags: <defaults>
</compile_context>

<pallas_src>
import functools

import jax
import jax.numpy as jnp
from jax import lax
from jax.experimental import pallas as pl
from jax.experimental.pallas import tpu as pltpu
from jax.experimental.pallas import tpu_sc as plsc

D_MODEL = 64
SCALE = 8.0
C = 128
P = 129


def kernel(x, table):
    NB, NT = x.shape
    V = table.shape[0]

    info = plsc.get_sparse_core_info()
    NC, NS = info.num_cores, info.num_subcores
    NW = NC * NS
    assert NB == C * NW, (NB, C, NW)
    assert NT % 2 == 0

    xT = jnp.transpose(x).astype(jnp.int32)
    table2 = jnp.reshape(table, (V // 2, 2 * D_MODEL))

    mesh = plsc.VectorSubcoreMesh(core_axis_name="c", subcore_axis_name="s")

    @functools.partial(
        pl.kernel,
        mesh=mesh,
        out_type=jax.ShapeDtypeStruct((NT, D_MODEL, NB), jnp.float32),
        compiler_params=pltpu.CompilerParams(needs_layout_passes=False),
        scratch_types=[
            pltpu.VMEM((NT, C), jnp.int32),
            pltpu.VMEM((C,), jnp.int32),
            pltpu.VMEM((C,), jnp.int32),
            pltpu.VMEM((C, 2 * D_MODEL), jnp.float32),
            pltpu.VMEM((C, 2 * D_MODEL), jnp.float32),
            pltpu.VMEM((D_MODEL, P), jnp.float32),
            pltpu.VMEM((D_MODEL, P), jnp.float32),
            pltpu.SemaphoreType.DMA,
            pltpu.SemaphoreType.DMA,
            pltpu.SemaphoreType.DMA,
            pltpu.SemaphoreType.DMA,
        ],
    )
    def emb(x_hbm, table_hbm, out_hbm, idx_all, kbuf0, kbuf1, pairs0, pairs1,
            outb0, outb1, gsem0, gsem1, osem0, osem1):
        kbufs = (kbuf0, kbuf1)
        pairsb = (pairs0, pairs1)
        outbs = (outb0, outb1)
        wid = lax.axis_index("c") * NS + lax.axis_index("s")
        b0 = wid * C

        pltpu.sync_copy(x_hbm.at[:, pl.ds(b0, C)], idx_all)

        gsems = (gsem0, gsem1)
        osems = (osem0, osem1)

        def prep(n, b):
            for s in range(C // 16):
                sl = pl.ds(s * 16, 16)
                kbufs[b][sl] = lax.shift_right_logical(idx_all[n, sl], 1)

        def gather_start(b):
            pltpu.make_async_copy(
                table_hbm.at[kbufs[b]], pairsb[b], gsems[b]
            ).start()

        def gather_wait(b):
            pltpu.make_async_copy(
                table_hbm.at[kbufs[b]], pairsb[b], gsems[b]
            ).wait()

        def store_start(n, b):
            pltpu.make_async_copy(
                outbs[b].at[:, pl.ds(0, C)],
                out_hbm.at[n, :, pl.ds(b0, C)], osems[b]
            ).start()

        def store_wait(n, b):
            pltpu.make_async_copy(
                outbs[b].at[:, pl.ds(0, C)],
                out_hbm.at[n, :, pl.ds(b0, C)], osems[b]
            ).wait()

        prep(0, 0)
        gather_start(0)

        lanes = lax.iota(jnp.int32, 16)

        def outer(i, _):
            n0 = i * 2
            for b in range(2):
                n = n0 + b
                nxt = n + 1

                @pl.when(nxt < NT)
                def _():
                    prep(nxt, 1 - b)
                    gather_start(1 - b)

                gather_wait(b)

                @pl.when(n >= 2)
                def _():
                    store_wait(n - 2, b)

                nvec = jnp.broadcast_to(n, (16,))
                pairs_b = pairsb[b]
                outb_b = outbs[b]

                @plsc.parallel_loop(0, C, unroll=4)
                def _(r):
                    rvec = jnp.broadcast_to(r, (16,))
                    iv = plsc.load_gather(idx_all, [nvec, rvec])
                    colb = lax.bitwise_and(iv, 1) * D_MODEL + lanes
                    for m in range(D_MODEL // 16):
                        vals = plsc.load_gather(
                            pairs_b, [rvec, colb + m * 16]
                        ) * SCALE
                        plsc.store_scatter(
                            outb_b, [m * 16 + lanes, rvec], vals
                        )

                store_start(n, b)
            return 0

        lax.fori_loop(0, NT // 2, outer, 0)
        store_wait(NT - 2, 0)
        store_wait(NT - 1, 1)

    outT = emb(xT, table2)
    return jnp.transpose(outT, (2, 0, 1))

# --- scband reference (transcript-rebuilt; emitter-appended) ---
"""Pipeline reference for scband-embeddings-51264729645113 (READ-ONLY COPY).

The authoritative reference and input builder live on the scoring server;
editing this copy changes nothing except your own understanding.
"""

import jax, jax.numpy as jnp
import numpy as np

VOCAB = 1000000
D_MODEL = 64

def setup_inputs(seed: int = 0) -> dict:
    key = jax.random.key(seed)
    k1, k2 = jax.random.split(key)
    x = jax.random.randint(k1, (4096, 200), 0, VOCAB, dtype=jnp.int64 if jax.config.jax_enable_x64 else jnp.int32)
    table = jax.random.normal(k2, (VOCAB, D_MODEL), dtype=jnp.float32)
    return {"x": x, "table": table}

def reference(x, table):
    # nn.Embedding lookup followed by scaling by sqrt(d_model)
    out = jnp.take(table, x, axis=0)
    return out * np.sqrt(D_MODEL)

if __name__ == "__main__":
    import jax
    _d = setup_inputs()
    print(jax.jit(kernel)(*tuple(_d.values())))

</pallas_src>

<mosaic_0001>
#map = affine_map<(d0, d1) -> (0, 0)>
#map1 = affine_map<(d0, d1) -> (0, 0, 0)>
module attributes {stable_mosaic.version = 14 : i64} {
  func.func @emb(%arg0: i32, %arg1: i32, %arg2: memref<200x4096xi32, #tpu.memory_space<hbm>>, %arg3: memref<500000x128xf32, #tpu.memory_space<hbm>>, %arg4: memref<200x64x4096xf32, #tpu.memory_space<hbm>>, %arg5: memref<200x128xi32, #tpu.memory_space<vmem>>, %arg6: memref<128xi32, #tpu.memory_space<vmem>>, %arg7: memref<128xi32, #tpu.memory_space<vmem>>, %arg8: memref<128x128xf32, #tpu.memory_space<vmem>>, %arg9: memref<128x128xf32, #tpu.memory_space<vmem>>, %arg10: memref<64x129xf32, #tpu.memory_space<vmem>>, %arg11: memref<64x129xf32, #tpu.memory_space<vmem>>, %arg12: memref<!tpu.dma_semaphore, #tpu.memory_space<semaphore_mem>>, %arg13: memref<!tpu.dma_semaphore, #tpu.memory_space<semaphore_mem>>, %arg14: memref<!tpu.dma_semaphore, #tpu.memory_space<semaphore_mem>>, %arg15: memref<!tpu.dma_semaphore, #tpu.memory_space<semaphore_mem>>) attributes {dimension_semantics = [#tpu.dimension_semantics<core_parallel>, #tpu.dimension_semantics<subcore_parallel>], iteration_bounds = array<i64: 2, 16>, scalar_prefetch = 0 : i64, scratch_operands = 11 : i64, tpu.core_type = #tpu.core_type<sc_vector_subcore>, window_params = [{transform_indices = #map}, {transform_indices = #map}, {transform_indices = #map1}]} {
    %mul3A = arith.constant 16 : i32
    %mul3A_0 = arith.muli %arg0, %mul3A : i32
    %add3A = arith.addi %mul3A_0, %arg1 : i32
    %mul3A_1 = arith.constant 128 : i32
    %mul3A_2 = arith.muli %add3A, %mul3A_1 : i32
    "tpu.region"() ({
      %run_scoped3A = tpu.sem_alloc : memref<!tpu.dma_semaphore, #tpu.memory_space<semaphore_mem>>
      %dma_start3A_105 = arith.constant 0 : i32
      %dma_start3A_106 = tpu.memref_slice %arg2[%dma_start3A_105, %mul3A_2] : memref<200x4096xi32, #tpu.memory_space<hbm>> -> memref<200x128xi32, #tpu.memory_space<hbm>>
      %dma_start3A_107 = arith.constant 0 : i32
      %dma_start3A_108 = tpu.memref_slice %arg2[%dma_start3A_107, %mul3A_2] : memref<200x4096xi32, #tpu.memory_space<hbm>> -> memref<200x128xi32, #tpu.memory_space<hbm>>
      tpu.enqueue_dma source(%dma_start3A_108 : memref<200x128xi32, #tpu.memory_space<hbm>>) target(%arg5 : memref<200x128xi32, #tpu.memory_space<vmem>>) target_semaphore(%run_scoped3A : memref<!tpu.dma_semaphore, #tpu.memory_space<semaphore_mem>>)
      %dma_wait3A_109 = arith.constant 0 : i32
      %dma_wait3A_110 = tpu.memref_slice %arg2[%dma_wait3A_109, %mul3A_2] : memref<200x4096xi32, #tpu.memory_space<hbm>> -> memref<200x128xi32, #tpu.memory_space<hbm>>
      %dma_wait3A_111 = arith.constant 0 : i32
      %dma_wait3A_112 = tpu.memref_slice %arg2[%dma_wait3A_111, %mul3A_2] : memref<200x4096xi32, #tpu.memory_space<hbm>> -> memref<200x128xi32, #tpu.memory_space<hbm>>
      tpu.wait_dma2 semaphore(%run_scoped3A : memref<!tpu.dma_semaphore, #tpu.memory_space<semaphore_mem>>) src(%dma_wait3A_112 : memref<200x128xi32, #tpu.memory_space<hbm>>) dst(%arg5 : memref<200x128xi32, #tpu.memory_space<vmem>>)
      tpu.yield
    }) : () -> ()
    %get3A = arith.constant 0 : i32
    %get3A_3 = arith.index_cast %get3A : i32 to index
    %get3A_4 = arith.constant 0 : index
    %get3A_5 = tpu.vector_load %arg5[%get3A_3, %get3A_4] {strides = array<i32>} : memref<200x128xi32, #tpu.memory_space<vmem>>, vector<16xi32>,
    %shift_right_logical3A = arith.constant 1 : i32
    %shift_right_logical3A_6 = vector.broadcast %shift_right_logical3A : i32 to vector<16xi32>
    %shift_right_logical3A_7 = arith.shrui %get3A_5, %shift_right_logical3A_6 : vector<16xi32>
    %swap3A = arith.constant 0 : index
    %swap3A_8 = tpu.vector_load %arg6[%swap3A] {strides = array<i32>} : memref<128xi32, #tpu.memory_space<vmem>>, vector<16xi32>,
    tpu.vector_store %arg6[%swap3A], %shift_right_logical3A_7 {strides = array<i32>} : memref<128xi32, #tpu.memory_space<vmem>>, vector<16xi32>,
    %get3A_9 = arith.constant 0 : i32
    %get3A_10 = arith.index_cast %get3A_9 : i32 to index
    %get3A_11 = arith.constant 16 : index
    %get3A_12 = tpu.vector_load %arg5[%get3A_10, %get3A_11] {strides = array<i32>} : memref<200x128xi32, #tpu.memory_space<vmem>>, vector<16xi32>,
    %shift_right_logical3A_13 = arith.constant 1 : i32
    %shift_right_logical3A_14 = vector.broadcast %shift_right_logical3A_13 : i32 to vector<16xi32>
    %shift_right_logical3A_15 = arith.shrui %get3A_12, %shift_right_logical3A_14 : vector<16xi32>
    %swap3A_16 = arith.constant 16 : index
    %swap3A_17 = tpu.vector_load %arg6[%swap3A_16] {strides = array<i32>} : memref<128xi32, #tpu.memory_space<vmem>>, vector<16xi32>,
    tpu.vector_store %arg6[%swap3A_16], %shift_right_logical3A_15 {strides = array<i32>} : memref<128xi32, #tpu.memory_space<vmem>>, vector<16xi32>,
    %get3A_18 = arith.constant 0 : i32
    %get3A_19 = arith.index_cast %get3A_18 : i32 to index
    %get3A_20 = arith.constant 32 : index
    %get3A_21 = tpu.vector_load %arg5[%get3A_19, %get3A_20] {strides = array<i32>} : memref<200x128xi32, #tpu.memory_space<vmem>>, vector<16xi32>,
    %shift_right_logical3A_22 = arith.constant 1 : i32
    %shift_right_logical3A_23 = vector.broadcast %shift_right_logical3A_22 : i32 to vector<16xi32>
    %shift_right_logical3A_24 = arith.shrui %get3A_21, %shift_right_logical3A_23 : vector<16xi32>
    %swap3A_25 = arith.constant 32 : index
    %swap3A_26 = tpu.vector_load %arg6[%swap3A_25] {strides = array<i32>} : memref<128xi32, #tpu.memory_space<vmem>>, vector<16xi32>,
    tpu.vector_store %arg6[%swap3A_25], %shift_right_logical3A_24 {strides = array<i32>} : memref<128xi32, #tpu.memory_space<vmem>>, vector<16xi32>,
    %get3A_27 = arith.constant 0 : i32
    %get3A_28 = arith.index_cast %get3A_27 : i32 to index
    %get3A_29 = arith.constant 48 : index
    %get3A_30 = tpu.vector_load %arg5[%get3A_28, %get3A_29] {strides = array<i32>} : memref<200x128xi32, #tpu.memory_space<vmem>>, vector<16xi32>,
    %shift_right_logical3A_31 = arith.constant 1 : i32
    %shift_right_logical3A_32 = vector.broadcast %shift_right_logical3A_31 : i32 to vector<16xi32>
    %shift_right_logical3A_33 = arith.shrui %get3A_30, %shift_right_logical3A_32 : vector<16xi32>
    %swap3A_34 = arith.constant 48 : index
    %swap3A_35 = tpu.vector_load %arg6[%swap3A_34] {strides = array<i32>} : memref<128xi32, #tpu.memory_space<vmem>>, vector<16xi32>,
    tpu.vector_store %arg6[%swap3A_34], %shift_right_logical3A_33 {strides = array<i32>} : memref<128xi32, #tpu.memory_space<vmem>>, vector<16xi32>,
    %get3A_36 = arith.constant 0 : i32
    %get3A_37 = arith.index_cast %get3A_36 : i32 to index
    %get3A_38 = arith.constant 64 : index
    %get3A_39 = tpu.vector_load %arg5[%get3A_37, %get3A_38] {strides = array<i32>} : memref<200x128xi32, #tpu.memory_space<vmem>>, vector<16xi32>,
    %shift_right_logical3A_40 = arith.constant 1 : i32
    %shift_right_logical3A_41 = vector.broadcast %shift_right_logical3A_40 : i32 to vector<16xi32>
    %shift_right_logical3A_42 = arith.shrui %get3A_39, %shift_right_logical3A_41 : vector<16xi32>
    %swap3A_43 = arith.constant 64 : index
    %swap3A_44 = tpu.vector_load %arg6[%swap3A_43] {strides = array<i32>} : memref<128xi32, #tpu.memory_space<vmem>>, vector<16xi32>,
    tpu.vector_store %arg6[%swap3A_43], %shift_right_logical3A_42 {strides = array<i32>} : memref<128xi32, #tpu.memory_space<vmem>>, vector<16xi32>,
    %get3A_45 = arith.constant 0 : i32
    %get3A_46 = arith.index_cast %get3A_45 : i32 to index
    %get3A_47 = arith.constant 80 : index
    %get3A_48 = tpu.vector_load %arg5[%get3A_46, %get3A_47] {strides = array<i32>} : memref<200x128xi32, #tpu.memory_space<vmem>>, vector<16xi32>,
    %shift_right_logical3A_49 = arith.constant 1 : i32
    %shift_right_logical3A_50 = vector.broadcast %shift_right_logical3A_49 : i32 to vector<16xi32>
    %shift_right_logical3A_51 = arith.shrui %get3A_48, %shift_right_logical3A_50 : vector<16xi32>
    %swap3A_52 = arith.constant 80 : index
    %swap3A_53 = tpu.vector_load %arg6[%swap3A_52] {strides = array<i32>} : memref<128xi32, #tpu.memory_space<vmem>>, vector<16xi32>,
    tpu.vector_store %arg6[%swap3A_52], %shift_right_logical3A_51 {strides = array<i32>} : memref<128xi32, #tpu.memory_space<vmem>>, vector<16xi32>,
    %get3A_54 = arith.constant 0 : i32
    %get3A_55 = arith.index_cast %get3A_54 : i32 to index
    %get3A_56 = arith.constant 96 : index
    %get3A_57 = tpu.vector_load %arg5[%get3A_55, %get3A_56] {strides = array<i32>} : memref<200x128xi32, #tpu.memory_space<vmem>>, vector<16xi32>,
    %shift_right_logical3A_58 = arith.constant 1 : i32
    %shift_right_logical3A_59 = vector.broadcast %shift_right_logical3A_58 : i32 to vector<16xi32>
    %shift_right_logical3A_60 = arith.shrui %get3A_57, %shift_right_logical3A_59 : vector<16xi32>
    %swap3A_61 = arith.constant 96 : index
    %swap3A_62 = tpu.vector_load %arg6[%swap3A_61] {strides = array<i32>} : memref<128xi32, #tpu.memory_space<vmem>>, vector<16xi32>,
    tpu.vector_store %arg6[%swap3A_61], %shift_right_logical3A_60 {strides = array<i32>} : memref<128xi32, #tpu.memory_space<vmem>>, vector<16xi32>,
    %get3A_63 = arith.constant 0 : i32
    %get3A_64 = arith.index_cast %get3A_63 : i32 to index
    %get3A_65 = arith.constant 112 : index
    %get3A_66 = tpu.vector_load %arg5[%get3A_64, %get3A_65] {strides = array<i32>} : memref<200x128xi32, #tpu.memory_space<vmem>>, vector<16xi32>,
    %shift_right_logical3A_67 = arith.constant 1 : i32
    %shift_right_logical3A_68 = vector.broadcast %shift_right_logical3A_67 : i32 to vector<16xi32>
    %shift_right_logical3A_69 = arith.shrui %get3A_66, %shift_right_logical3A_68 : vector<16xi32>
    %swap3A_70 = arith.constant 112 : index
    %swap3A_71 = tpu.vector_load %arg6[%swap3A_70] {strides = array<i32>} : memref<128xi32, #tpu.memory_space<vmem>>, vector<16xi32>,
    tpu.vector_store %arg6[%swap3A_70], %shift_right_logical3A_69 {strides = array<i32>} : memref<128xi32, #tpu.memory_space<vmem>>, vector<16xi32>,
    %dma_start3A = arith.constant 0 : i32
    %dma_start3A_72 = arith.constant 0 : i32
    %dma_start3A_73 = tpu.memref_slice %arg3[%dma_start3A, %dma_start3A_72] : memref<500000x128xf32, #tpu.memory_space<hbm>> -> memref<500000x128xf32, #tpu.memory_space<hbm>>
    tpu.enqueue_indirect_dma source(%dma_start3A_73 : memref<500000x128xf32, #tpu.memory_space<hbm>>) target(%arg8 : memref<128x128xf32, #tpu.memory_space<vmem>>) offsets(%arg6 : memref<128xi32, #tpu.memory_space<vmem>>) semaphore(%arg12 : memref<!tpu.dma_semaphore, #tpu.memory_space<semaphore_mem>>)
    %iota3A = tpu.iota {dimensions = array<i32: 0>} : vector<16xi32>
    %scan3A = arith.constant 0 : i32
    %scan3A_74 = arith.constant 0 : i32
    %scan3A_75 = arith.constant 100 : i32
    %scan3A_76 = arith.addi %scan3A_74, %scan3A_75 : i32
    %scan3A_77 = arith.constant 1 : i32
    %scan3A_78 = scf.for %scan3A_105 = %scan3A_74 to %scan3A_76 step %scan3A_77 iter_args(%scan3A_106 = %scan3A) -> (i32)  : i32 {
      %mul3A_107 = arith.constant 2 : i32
      %mul3A_108 = arith.muli %scan3A_105, %mul3A_107 : i32
      %add3A_109 = arith.constant 0 : i32
      %add3A_110 = arith.addi %mul3A_108, %add3A_109 : i32
      %add3A_111 = arith.constant 1 : i32
      %add3A_112 = arith.addi %add3A_110, %add3A_111 : i32
      %lt3A = arith.constant 200 : i32
      %lt3A_113 = arith.cmpi slt, %add3A_112, %lt3A : i32
      %convert_element_type3A = arith.extui %lt3A_113 : i1 to i32
      %cond3A = arith.constant 0 : i32
      %cond3A_114 = arith.cmpi ne, %convert_element_type3A, %cond3A : i32
      scf.if %cond3A_114 {
        %get3A_170 = arith.index_cast %add3A_112 : i32 to index
        %get3A_171 = arith.constant 0 : index
        %get3A_172 = tpu.vector_load %arg5[%get3A_170, %get3A_171] {strides = array<i32>} : memref<200x128xi32, #tpu.memory_space<vmem>>, vector<16xi32>,
        %shift_right_logical3A_173 = arith.constant 1 : i32
        %shift_right_logical3A_174 = vector.broadcast %shift_right_logical3A_173 : i32 to vector<16xi32>
        %shift_right_logical3A_175 = arith.shrui %get3A_172, %shift_right_logical3A_174 : vector<16xi32>
        %swap3A_176 = arith.constant 0 : index
        %swap3A_177 = tpu.vector_load %arg7[%swap3A_176] {strides = array<i32>} : memref<128xi32, #tpu.memory_space<vmem>>, vector<16xi32>,
        tpu.vector_store %arg7[%swap3A_176], %shift_right_logical3A_175 {strides = array<i32>} : memref<128xi32, #tpu.memory_space<vmem>>, vector<16xi32>,
        %get3A_178 = arith.index_cast %add3A_112 : i32 to index
        %get3A_179 = arith.constant 16 : index
        %get3A_180 = tpu.vector_load %arg5[%get3A_178, %get3A_179] {strides = array<i32>} : memref<200x128xi32, #tpu.memory_space<vmem>>, vector<16xi32>,
        %shift_right_logical3A_181 = arith.constant 1 : i32
        %shift_right_logical3A_182 = vector.broadcast %shift_right_logical3A_181 : i32 to vector<16xi32>
        %shift_right_logical3A_183 = arith.shrui %get3A_180, %shift_right_logical3A_182 : vector<16xi32>
        %swap3A_184 = arith.constant 16 : index
        %swap3A_185 = tpu.vector_load %arg7[%swap3A_184] {strides = array<i32>} : memref<128xi32, #tpu.memory_space<vmem>>, vector<16xi32>,
        tpu.vector_store %arg7[%swap3A_184], %shift_right_logical3A_183 {strides = array<i32>} : memref<128xi32, #tpu.memory_space<vmem>>, vector<16xi32>,
        %get3A_186 = arith.index_cast %add3A_112 : i32 to index
        %get3A_187 = arith.constant 32 : index
        %get3A_188 = tpu.vector_load %arg5[%get3A_186, %get3A_187] {strides = array<i32>} : memref<200x128xi32, #tpu.memory_space<vmem>>, vector<16xi32>,
        %shift_right_logical3A_189 = arith.constant 1 : i32
        %shift_right_logical3A_190 = vector.broadcast %shift_right_logical3A_189 : i32 to vector<16xi32>
        %shift_right_logical3A_191 = arith.shrui %get3A_188, %shift_right_logical3A_190 : vector<16xi32>
        %swap3A_192 = arith.constant 32 : index
        %swap3A_193 = tpu.vector_load %arg7[%swap3A_192] {strides = array<i32>} : memref<128xi32, #tpu.memory_space<vmem>>, vector<16xi32>,
        tpu.vector_store %arg7[%swap3A_192], %shift_right_logical3A_191 {strides = array<i32>} : memref<128xi32, #tpu.memory_space<vmem>>, vector<16xi32>,
        %get3A_194 = arith.index_cast %add3A_112 : i32 to index
        %get3A_195 = arith.constant 48 : index
        %get3A_196 = tpu.vector_load %arg5[%get3A_194, %get3A_195] {strides = array<i32>} : memref<200x128xi32, #tpu.memory_space<vmem>>, vector<16xi32>,
        %shift_right_logical3A_197 = arith.constant 1 : i32
        %shift_right_logical3A_198 = vector.broadcast %shift_right_logical3A_197 : i32 to vector<16xi32>
        %shift_right_logical3A_199 = arith.shrui %get3A_196, %shift_right_logical3A_198 : vector<16xi32>
        %swap3A_200 = arith.constant 48 : index
        %swap3A_201 = tpu.vector_load %arg7[%swap3A_200] {strides = array<i32>} : memref<128xi32, #tpu.memory_space<vmem>>, vector<16xi32>,
        tpu.vector_store %arg7[%swap3A_200], %shift_right_logical3A_199 {strides = array<i32>} : memref<128xi32, #tpu.memory_space<vmem>>, vector<16xi32>,
        %get3A_202 = arith.index_cast %add3A_112 : i32 to index
        %get3A_203 = arith.constant 64 : index
        %get3A_204 = tpu.vector_load %arg5[%get3A_202, %get3A_203] {strides = array<i32>} : memref<200x128xi32, #tpu.memory_space<vmem>>, vector<16xi32>,
        %shift_right_logical3A_205 = arith.constant 1 : i32
        %shift_right_logical3A_206 = vector.broadcast %shift_right_logical3A_205 : i32 to vector<16xi32>
        %shift_right_logical3A_207 = arith.shrui %get3A_204, %shift_right_logical3A_206 : vector<16xi32>
        %swap3A_208 = arith.constant 64 : index
        %swap3A_209 = tpu.vector_load %arg7[%swap3A_208] {strides = array<i32>} : memref<128xi32, #tpu.memory_space<vmem>>, vector<16xi32>,
        tpu.vector_store %arg7[%swap3A_208], %shift_right_logical3A_207 {strides = array<i32>} : memref<128xi32, #tpu.memory_space<vmem>>, vector<16xi32>,
        %get3A_210 = arith.index_cast %add3A_112 : i32 to index
        %get3A_211 = arith.constant 80 : index
        %get3A_212 = tpu.vector_load %arg5[%get3A_210, %get3A_211] {strides = array<i32>} : memref<200x128xi32, #tpu.memory_space<vmem>>, vector<16xi32>,
        %shift_right_logical3A_213 = arith.constant 1 : i32
        %shift_right_logical3A_214 = vector.broadcast %shift_right_logical3A_213 : i32 to vector<16xi32>
        %shift_right_logical3A_215 = arith.shrui %get3A_212, %shift_right_logical3A_214 : vector<16xi32>
        %swap3A_216 = arith.constant 80 : index
        %swap3A_217 = tpu.vector_load %arg7[%swap3A_216] {strides = array<i32>} : memref<128xi32, #tpu.memory_space<vmem>>, vector<16xi32>,
        tpu.vector_store %arg7[%swap3A_216], %shift_right_logical3A_215 {strides = array<i32>} : memref<128xi32, #tpu.memory_space<vmem>>, vector<16xi32>,
        %get3A_218 = arith.index_cast %add3A_112 : i32 to index
        %get3A_219 = arith.constant 96 : index
        %get3A_220 = tpu.vector_load %arg5[%get3A_218, %get3A_219] {strides = array<i32>} : memref<200x128xi32, #tpu.memory_space<vmem>>, vector<16xi32>,
        %shift_right_logical3A_221 = arith.constant 1 : i32
        %shift_right_logical3A_222 = vector.broadcast %shift_right_logical3A_221 : i32 to vector<16xi32>
        %shift_right_logical3A_223 = arith.shrui %get3A_220, %shift_right_logical3A_222 : vector<16xi32>
        %swap3A_224 = arith.constant 96 : index
        %swap3A_225 = tpu.vector_load %arg7[%swap3A_224] {strides = array<i32>} : memref<128xi32, #tpu.memory_space<vmem>>, vector<16xi32>,
        tpu.vector_store %arg7[%swap3A_224], %shift_right_logical3A_223 {strides = array<i32>} : memref<128xi32, #tpu.memory_space<vmem>>, vector<16xi32>,
        %get3A_226 = arith.index_cast %add3A_112 : i32 to index
        %get3A_227 = arith.constant 112 : index
        %get3A_228 = tpu.vector_load %arg5[%get3A_226, %get3A_227] {strides = array<i32>} : memref<200x128xi32, #tpu.memory_space<vmem>>, vector<16xi32>,
        %shift_right_logical3A_229 = arith.constant 1 : i32
        %shift_right_logical3A_230 = vector.broadcast %shift_right_logical3A_229 : i32 to vector<16xi32>
        %shift_right_logical3A_231 = arith.shrui %get3A_228, %shift_right_logical3A_230 : vector<16xi32>
        %swap3A_232 = arith.constant 112 : index
        %swap3A_233 = tpu.vector_load %arg7[%swap3A_232] {strides = array<i32>} : memref<128xi32, #tpu.memory_space<vmem>>, vector<16xi32>,
        tpu.vector_store %arg7[%swap3A_232], %shift_right_logical3A_231 {strides = array<i32>} : memref<128xi32, #tpu.memory_space<vmem>>, vector<16xi32>,
        %dma_start3A_234 = arith.constant 0 : i32
        %dma_start3A_235 = arith.constant 0 : i32
        %dma_start3A_236 = tpu.memref_slice %arg3[%dma_start3A_234, %dma_start3A_235] : memref<500000x128xf32, #tpu.memory_space<hbm>> -> memref<500000x128xf32, #tpu.memory_space<hbm>>
        tpu.enqueue_indirect_dma source(%dma_start3A_236 : memref<500000x128xf32, #tpu.memory_space<hbm>>) target(%arg9 : memref<128x128xf32, #tpu.memory_space<vmem>>) offsets(%arg7 : memref<128xi32, #tpu.memory_space<vmem>>) semaphore(%arg13 : memref<!tpu.dma_semaphore, #tpu.memory_space<semaphore_mem>>)
      } else {
      }
      %dma_wait3A_115 = arith.constant 0 : i32
      %dma_wait3A_116 = arith.constant 0 : i32
      %dma_wait3A_117 = tpu.memref_slice %arg3[%dma_wait3A_115, %dma_wait3A_116] : memref<500000x128xf32, #tpu.memory_space<hbm>> -> memref<500000x128xf32, #tpu.memory_space<hbm>>
      tpu.wait_indirect_dma semaphore(%arg12 : memref<!tpu.dma_semaphore, #tpu.memory_space<semaphore_mem>>) src(%dma_wait3A_117 : memref<500000x128xf32, #tpu.memory_space<hbm>>) dst(%arg8 : memref<128x128xf32, #tpu.memory_space<vmem>>)
      %ge3A = arith.constant 2 : i32
      %ge3A_118 = arith.cmpi sge, %add3A_110, %ge3A : i32
      %convert_element_type3A_119 = arith.extui %ge3A_118 : i1 to i32
      %cond3A_120 = arith.constant 0 : i32
      %cond3A_121 = arith.cmpi ne, %convert_element_type3A_119, %cond3A_120 : i32
      scf.if %cond3A_121 {
        %sub3A = arith.constant 2 : i32
        %sub3A_170 = arith.subi %add3A_110, %sub3A : i32
        %dma_wait3A_171 = arith.constant 0 : i32
        %dma_wait3A_172 = arith.constant 0 : i32
        %dma_wait3A_173 = tpu.memref_slice %arg10[%dma_wait3A_171, %dma_wait3A_172] : memref<64x129xf32, #tpu.memory_space<vmem>> -> memref<64x128xf32, #tpu.memory_space<vmem>>
        %dma_wait3A_174 = arith.constant 0 : i32
        %dma_wait3A_175 = tpu.memref_slice %arg4[%sub3A_170, %dma_wait3A_174, %mul3A_2] : memref<200x64x4096xf32, #tpu.memory_space<hbm>> -> memref<1x64x128xf32, #tpu.memory_space<hbm>>
        %dma_wait3A_176 = tpu.memref_squeeze %dma_wait3A_175 : memref<1x64x128xf32, #tpu.memory_space<hbm>> -> memref<64x128xf32, #tpu.memory_space<hbm>>
        %dma_wait3A_177 = arith.constant 0 : i32
        %dma_wait3A_178 = tpu.memref_slice %arg4[%sub3A_170, %dma_wait3A_177, %mul3A_2] : memref<200x64x4096xf32, #tpu.memory_space<hbm>> -> memref<1x64x128xf32, #tpu.memory_space<hbm>>
        %dma_wait3A_179 = tpu.memref_squeeze %dma_wait3A_178 : memref<1x64x128xf32, #tpu.memory_space<hbm>> -> memref<64x128xf32, #tpu.memory_space<hbm>>
        %dma_wait3A_180 = arith.constant 0 : i32
        %dma_wait3A_181 = arith.constant 0 : i32
        %dma_wait3A_182 = tpu.memref_slice %arg10[%dma_wait3A_180, %dma_wait3A_181] : memref<64x129xf32, #tpu.memory_space<vmem>> -> memref<64x128xf32, #tpu.memory_space<vmem>>
        tpu.wait_dma2 semaphore(%arg14 : memref<!tpu.dma_semaphore, #tpu.memory_space<semaphore_mem>>) src(%dma_wait3A_182 : memref<64x128xf32, #tpu.memory_space<vmem>>) dst(%dma_wait3A_179 : memref<64x128xf32, #tpu.memory_space<hbm>>)
      } else {
      }
      %broadcast_in_dim3A = vector.broadcast %add3A_110 : i32 to vector<16xi32>
      %parallel_loop3A = arith.constant 0 : i32
      %parallel_loop3A_122 = arith.constant 128 : i32
      %parallel_loop3A_123 = arith.constant 1 : i32
      scf.for %parallel_loop3A_170 = %parallel_loop3A to %parallel_loop3A_122 step %parallel_loop3A_123  : i32 {
        %parallel_loop3A_171 = vector.broadcast %parallel_loop3A_170 : i32 to vector<16xi32>
        %parallel_loop3A_172 = tpu.vector_load_idx %arg5[%broadcast_in_dim3A, %parallel_loop3A_171] : memref<200x128xi32, #tpu.memory_space<vmem>>[vector<16xi32>, vector<16xi32>], vector<16xi32>,
        %parallel_loop3A_173 = arith.constant 1 : i32
        %parallel_loop3A_174 = vector.broadcast %parallel_loop3A_173 : i32 to vector<16xi32>
        %parallel_loop3A_175 = arith.andi %parallel_loop3A_172, %parallel_loop3A_174 : vector<16xi32>
        %parallel_loop3A_176 = arith.constant 64 : i32
        %parallel_loop3A_177 = vector.broadcast %parallel_loop3A_176 : i32 to vector<16xi32>
        %parallel_loop3A_178 = arith.muli %parallel_loop3A_175, %parallel_loop3A_177 : vector<16xi32>
        %parallel_loop3A_179 = arith.addi %parallel_loop3A_178, %iota3A : vector<16xi32>
        %parallel_loop3A_180 = arith.constant 0 : i32
        %parallel_loop3A_181 = vector.broadcast %parallel_loop3A_180 : i32 to vector<16xi32>
        %parallel_loop3A_182 = arith.addi %parallel_loop3A_179, %parallel_loop3A_181 : vector<16xi32>
        %parallel_loop3A_183 = tpu.vector_load_idx %arg8[%parallel_loop3A_171, %parallel_loop3A_182] : memref<128x128xf32, #tpu.memory_space<vmem>>[vector<16xi32>, vector<16xi32>], vector<16xf32>,
        %parallel_loop3A_184 = arith.constant 8.000000e+00 : f32
        %parallel_loop3A_185 = vector.broadcast %parallel_loop3A_184 : f32 to vector<16xf32>
        %parallel_loop3A_186 = arith.mulf %parallel_loop3A_183, %parallel_loop3A_185 : vector<16xf32>
        %parallel_loop3A_187 = arith.constant 0 : i32
        %parallel_loop3A_188 = vector.broadcast %parallel_loop3A_187 : i32 to vector<16xi32>
        %parallel_loop3A_189 = arith.addi %parallel_loop3A_188, %iota3A : vector<16xi32>
        tpu.vector_store_idx %arg10[%parallel_loop3A_189, %parallel_loop3A_171], %parallel_loop3A_186 : memref<64x129xf32, #tpu.memory_space<vmem>>[vector<16xi32>, vector<16xi32>], vector<16xf32>,
        %parallel_loop3A_190 = arith.constant 16 : i32
        %parallel_loop3A_191 = vector.broadcast %parallel_loop3A_190 : i32 to vector<16xi32>
        %parallel_loop3A_192 = arith.addi %parallel_loop3A_179, %parallel_loop3A_191 : vector<16xi32>
        %parallel_loop3A_193 = tpu.vector_load_idx %arg8[%parallel_loop3A_171, %parallel_loop3A_192] : memref<128x128xf32, #tpu.memory_space<vmem>>[vector<16xi32>, vector<16xi32>], vector<16xf32>,
        %parallel_loop3A_194 = arith.constant 8.000000e+00 : f32
        %parallel_loop3A_195 = vector.broadcast %parallel_loop3A_194 : f32 to vector<16xf32>
        %parallel_loop3A_196 = arith.mulf %parallel_loop3A_193, %parallel_loop3A_195 : vector<16xf32>
        %parallel_loop3A_197 = arith.constant 16 : i32
        %parallel_loop3A_198 = vector.broadcast %parallel_loop3A_197 : i32 to vector<16xi32>
        %parallel_loop3A_199 = arith.addi %parallel_loop3A_198, %iota3A : vector<16xi32>
        tpu.vector_store_idx %arg10[%parallel_loop3A_199, %parallel_loop3A_171], %parallel_loop3A_196 : memref<64x129xf32, #tpu.memory_space<vmem>>[vector<16xi32>, vector<16xi32>], vector<16xf32>,
        %parallel_loop3A_200 = arith.constant 32 : i32
        %parallel_loop3A_201 = vector.broadcast %parallel_loop3A_200 : i32 to vector<16xi32>
        %parallel_loop3A_202 = arith.addi %parallel_loop3A_179, %parallel_loop3A_201 : vector<16xi32>
        %parallel_loop3A_203 = tpu.vector_load_idx %arg8[%parallel_loop3A_171, %parallel_loop3A_202] : memref<128x128xf32, #tpu.memory_space<vmem>>[vector<16xi32>, vector<16xi32>], vector<16xf32>,
        %parallel_loop3A_204 = arith.constant 8.000000e+00 : f32
        %parallel_loop3A_205 = vector.broadcast %parallel_loop3A_204 : f32 to vector<16xf32>
        %parallel_loop3A_206 = arith.mulf %parallel_loop3A_203, %parallel_loop3A_205 : vector<16xf32>
        %parallel_loop3A_207 = arith.constant 32 : i32
        %parallel_loop3A_208 = vector.broadcast %parallel_loop3A_207 : i32 to vector<16xi32>
        %parallel_loop3A_209 = arith.addi %parallel_loop3A_208, %iota3A : vector<16xi32>
        tpu.vector_store_idx %arg10[%parallel_loop3A_209, %parallel_loop3A_171], %parallel_loop3A_206 : memref<64x129xf32, #tpu.memory_space<vmem>>[vector<16xi32>, vector<16xi32>], vector<16xf32>,
        %parallel_loop3A_210 = arith.constant 48 : i32
        %parallel_loop3A_211 = vector.broadcast %parallel_loop3A_210 : i32 to vector<16xi32>
        %parallel_loop3A_212 = arith.addi %parallel_loop3A_179, %parallel_loop3A_211 : vector<16xi32>
        %parallel_loop3A_213 = tpu.vector_load_idx %arg8[%parallel_loop3A_171, %parallel_loop3A_212] : memref<128x128xf32, #tpu.memory_space<vmem>>[vector<16xi32>, vector<16xi32>], vector<16xf32>,
        %parallel_loop3A_214 = arith.constant 8.000000e+00 : f32
        %parallel_loop3A_215 = vector.broadcast %parallel_loop3A_214 : f32 to vector<16xf32>
        %parallel_loop3A_216 = arith.mulf %parallel_loop3A_213, %parallel_loop3A_215 : vector<16xf32>
        %parallel_loop3A_217 = arith.constant 48 : i32
        %parallel_loop3A_218 = vector.broadcast %parallel_loop3A_217 : i32 to vector<16xi32>
        %parallel_loop3A_219 = arith.addi %parallel_loop3A_218, %iota3A : vector<16xi32>
        tpu.vector_store_idx %arg10[%parallel_loop3A_219, %parallel_loop3A_171], %parallel_loop3A_216 : memref<64x129xf32, #tpu.memory_space<vmem>>[vector<16xi32>, vector<16xi32>], vector<16xf32>,
      } {sc.loop_unroll_factor = 4 : i64, sc.parallel_access}
      %dma_start3A_124 = arith.constant 0 : i32
      %dma_start3A_125 = arith.constant 0 : i32
      %dma_start3A_126 = tpu.memref_slice %arg10[%dma_start3A_124, %dma_start3A_125] : memref<64x129xf32, #tpu.memory_space<vmem>> -> memref<64x128xf32, #tpu.memory_space<vmem>>
      %dma_start3A_127 = arith.constant 0 : i32
      %dma_start3A_128 = tpu.memref_slice %arg4[%add3A_110, %dma_start3A_127, %mul3A_2] : memref<200x64x4096xf32, #tpu.memory_space<hbm>> -> memref<1x64x128xf32, #tpu.memory_space<hbm>>
      %dma_start3A_129 = tpu.memref_squeeze %dma_start3A_128 : memref<1x64x128xf32, #tpu.memory_space<hbm>> -> memref<64x128xf32, #tpu.memory_space<hbm>>
      %dma_start3A_130 = arith.constant 0 : i32
      %dma_start3A_131 = tpu.memref_slice %arg4[%add3A_110, %dma_start3A_130, %mul3A_2] : memref<200x64x4096xf32, #tpu.memory_space<hbm>> -> memref<1x64x128xf32, #tpu.memory_space<hbm>>
      %dma_start3A_132 = tpu.memref_squeeze %dma_start3A_131 : memref<1x64x128xf32, #tpu.memory_space<hbm>> -> memref<64x128xf32, #tpu.memory_space<hbm>>
      %dma_start3A_133 = arith.constant 0 : i32
      %dma_start3A_134 = arith.constant 0 : i32
      %dma_start3A_135 = tpu.memref_slice %arg10[%dma_start3A_133, %dma_start3A_134] : memref<64x129xf32, #tpu.memory_space<vmem>> -> memref<64x128xf32, #tpu.memory_space<vmem>>
      tpu.enqueue_dma source(%dma_start3A_135 : memref<64x128xf32, #tpu.memory_space<vmem>>) target(%dma_start3A_132 : memref<64x128xf32, #tpu.memory_space<hbm>>) target_semaphore(%arg14 : memref<!tpu.dma_semaphore, #tpu.memory_space<semaphore_mem>>)
      %add3A_136 = arith.constant 1 : i32
      %add3A_137 = arith.addi %mul3A_108, %add3A_136 : i32
      %add3A_138 = arith.constant 1 : i32
      %add3A_139 = arith.addi %add3A_137, %add3A_138 : i32
      %lt3A_140 = arith.constant 200 : i32
      %lt3A_141 = arith.cmpi slt, %add3A_139, %lt3A_140 : i32
      %convert_element_type3A_142 = arith.extui %lt3A_141 : i1 to i32
      %cond3A_143 = arith.constant 0 : i32
      %cond3A_144 = arith.cmpi ne, %convert_element_type3A_142, %cond3A_143 : i32
      scf.if %cond3A_144 {
        %get3A_170 = arith.index_cast %add3A_139 : i32 to index
        %get3A_171 = arith.constant 0 : index
        %get3A_172 = tpu.vector_load %arg5[%get3A_170, %get3A_171] {strides = array<i32>} : memref<200x128xi32, #tpu.memory_space<vmem>>, vector<16xi32>,
        %shift_right_logical3A_173 = arith.constant 1 : i32
        %shift_right_logical3A_174 = vector.broadcast %shift_right_logical3A_173 : i32 to vector<16xi32>
        %shift_right_logical3A_175 = arith.shrui %get3A_172, %shift_right_logical3A_174 : vector<16xi32>
        %swap3A_176 = arith.constant 0 : index
        %swap3A_177 = tpu.vector_load %arg6[%swap3A_176] {strides = array<i32>} : memref<128xi32, #tpu.memory_space<vmem>>, vector<16xi32>,
        tpu.vector_store %arg6[%swap3A_176], %shift_right_logical3A_175 {strides = array<i32>} : memref<128xi32, #tpu.memory_space<vmem>>, vector<16xi32>,
        %get3A_178 = arith.index_cast %add3A_139 : i32 to index
        %get3A_179 = arith.constant 16 : index
        %get3A_180 = tpu.vector_load %arg5[%get3A_178, %get3A_179] {strides = array<i32>} : memref<200x128xi32, #tpu.memory_space<vmem>>, vector<16xi32>,
        %shift_right_logical3A_181 = arith.constant 1 : i32
        %shift_right_logical3A_182 = vector.broadcast %shift_right_logical3A_181 : i32 to vector<16xi32>
        %shift_right_logical3A_183 = arith.shrui %get3A_180, %shift_right_logical3A_182 : vector<16xi32>
        %swap3A_184 = arith.constant 16 : index
        %swap3A_185 = tpu.vector_load %arg6[%swap3A_184] {strides = array<i32>} : memref<128xi32, #tpu.memory_space<vmem>>, vector<16xi32>,
        tpu.vector_store %arg6[%swap3A_184], %shift_right_logical3A_183 {strides = array<i32>} : memref<128xi32, #tpu.memory_space<vmem>>, vector<16xi32>,
        %get3A_186 = arith.index_cast %add3A_139 : i32 to index
        %get3A_187 = arith.constant 32 : index
        %get3A_188 = tpu.vector_load %arg5[%get3A_186, %get3A_187] {strides = array<i32>} : memref<200x128xi32, #tpu.memory_space<vmem>>, vector<16xi32>,
        %shift_right_logical3A_189 = arith.constant 1 : i32
        %shift_right_logical3A_190 = vector.broadcast %shift_right_logical3A_189 : i32 to vector<16xi32>
        %shift_right_logical3A_191 = arith.shrui %get3A_188, %shift_right_logical3A_190 : vector<16xi32>
        %swap3A_192 = arith.constant 32 : index
        %swap3A_193 = tpu.vector_load %arg6[%swap3A_192] {strides = array<i32>} : memref<128xi32, #tpu.memory_space<vmem>>, vector<16xi32>,
        tpu.vector_store %arg6[%swap3A_192], %shift_right_logical3A_191 {strides = array<i32>} : memref<128xi32, #tpu.memory_space<vmem>>, vector<16xi32>,
        %get3A_194 = arith.index_cast %add3A_139 : i32 to index
        %get3A_195 = arith.constant 48 : index
        %get3A_196 = tpu.vector_load %arg5[%get3A_194, %get3A_195] {strides = array<i32>} : memref<200x128xi32, #tpu.memory_space<vmem>>, vector<16xi32>,
        %shift_right_logical3A_197 = arith.constant 1 : i32
        %shift_right_logical3A_198 = vector.broadcast %shift_right_logical3A_197 : i32 to vector<16xi32>
        %shift_right_logical3A_199 = arith.shrui %get3A_196, %shift_right_logical3A_198 : vector<16xi32>
        %swap3A_200 = arith.constant 48 : index
        %swap3A_201 = tpu.vector_load %arg6[%swap3A_200] {strides = array<i32>} : memref<128xi32, #tpu.memory_space<vmem>>, vector<16xi32>,
        tpu.vector_store %arg6[%swap3A_200], %shift_right_logical3A_199 {strides = array<i32>} : memref<128xi32, #tpu.memory_space<vmem>>, vector<16xi32>,
        %get3A_202 = arith.index_cast %add3A_139 : i32 to index
        %get3A_203 = arith.constant 64 : index
        %get3A_204 = tpu.vector_load %arg5[%get3A_202, %get3A_203] {strides = array<i32>} : memref<200x128xi32, #tpu.memory_space<vmem>>, vector<16xi32>,
        %shift_right_logical3A_205 = arith.constant 1 : i32
        %shift_right_logical3A_206 = vector.broadcast %shift_right_logical3A_205 : i32 to vector<16xi32>
        %shift_right_logical3A_207 = arith.shrui %get3A_204, %shift_right_logical3A_206 : vector<16xi32>
        %swap3A_208 = arith.constant 64 : index
        %swap3A_209 = tpu.vector_load %arg6[%swap3A_208] {strides = array<i32>} : memref<128xi32, #tpu.memory_space<vmem>>, vector<16xi32>,
        tpu.vector_store %arg6[%swap3A_208], %shift_right_logical3A_207 {strides = array<i32>} : memref<128xi32, #tpu.memory_space<vmem>>, vector<16xi32>,
        %get3A_210 = arith.index_cast %add3A_139 : i32 to index
        %get3A_211 = arith.constant 80 : index
        %get3A_212 = tpu.vector_load %arg5[%get3A_210, %get3A_211] {strides = array<i32>} : memref<200x128xi32, #tpu.memory_space<vmem>>, vector<16xi32>,
        %shift_right_logical3A_213 = arith.constant 1 : i32
        %shift_right_logical3A_214 = vector.broadcast %shift_right_logical3A_213 : i32 to vector<16xi32>
        %shift_right_logical3A_215 = arith.shrui %get3A_212, %shift_right_logical3A_214 : vector<16xi32>
        %swap3A_216 = arith.constant 80 : index
        %swap3A_217 = tpu.vector_load %arg6[%swap3A_216] {strides = array<i32>} : memref<128xi32, #tpu.memory_space<vmem>>, vector<16xi32>,
        tpu.vector_store %arg6[%swap3A_216], %shift_right_logical3A_215 {strides = array<i32>} : memref<128xi32, #tpu.memory_space<vmem>>, vector<16xi32>,
        %get3A_218 = arith.index_cast %add3A_139 : i32 to index
        %get3A_219 = arith.constant 96 : index
        %get3A_220 = tpu.vector_load %arg5[%get3A_218, %get3A_219] {strides = array<i32>} : memref<200x128xi32, #tpu.memory_space<vmem>>, vector<16xi32>,
        %shift_right_logical3A_221 = arith.constant 1 : i32
        %shift_right_logical3A_222 = vector.broadcast %shift_right_logical3A_221 : i32 to vector<16xi32>
        %shift_right_logical3A_223 = arith.shrui %get3A_220, %shift_right_logical3A_222 : vector<16xi32>
        %swap3A_224 = arith.constant 96 : index
        %swap3A_225 = tpu.vector_load %arg6[%swap3A_224] {strides = array<i32>} : memref<128xi32, #tpu.memory_space<vmem>>, vector<16xi32>,
        tpu.vector_store %arg6[%swap3A_224], %shift_right_logical3A_223 {strides = array<i32>} : memref<128xi32, #tpu.memory_space<vmem>>, vector<16xi32>,
        %get3A_226 = arith.index_cast %add3A_139 : i32 to index
        %get3A_227 = arith.constant 112 : index
        %get3A_228 = tpu.vector_load %arg5[%get3A_226, %get3A_227] {strides = array<i32>} : memref<200x128xi32, #tpu.memory_space<vmem>>, vector<16xi32>,
        %shift_right_logical3A_229 = arith.constant 1 : i32
        %shift_right_logical3A_230 = vector.broadcast %shift_right_logical3A_229 : i32 to vector<16xi32>
        %shift_right_logical3A_231 = arith.shrui %get3A_228, %shift_right_logical3A_230 : vector<16xi32>
        %swap3A_232 = arith.constant 112 : index
        %swap3A_233 = tpu.vector_load %arg6[%swap3A_232] {strides = array<i32>} : memref<128xi32, #tpu.memory_space<vmem>>, vector<16xi32>,
        tpu.vector_store %arg6[%swap3A_232], %shift_right_logical3A_231 {strides = array<i32>} : memref<128xi32, #tpu.memory_space<vmem>>, vector<16xi32>,
        %dma_start3A_234 = arith.constant 0 : i32
        %dma_start3A_235 = arith.constant 0 : i32
        %dma_start3A_236 = tpu.memref_slice %arg3[%dma_start3A_234, %dma_start3A_235] : memref<500000x128xf32, #tpu.memory_space<hbm>> -> memref<500000x128xf32, #tpu.memory_space<hbm>>
        tpu.enqueue_indirect_dma source(%dma_start3A_236 : memref<500000x128xf32, #tpu.memory_space<hbm>>) target(%arg8 : memref<128x128xf32, #tpu.memory_space<vmem>>) offsets(%arg6 : memref<128xi32, #tpu.memory_space<vmem>>) semaphore(%arg12 : memref<!tpu.dma_semaphore, #tpu.memory_space<semaphore_mem>>)
      } else {
      }
      %dma_wait3A_145 = arith.constant 0 : i32
      %dma_wait3A_146 = arith.constant 0 : i32
      %dma_wait3A_147 = tpu.memref_slice %arg3[%dma_wait3A_145, %dma_wait3A_146] : memref<500000x128xf32, #tpu.memory_space<hbm>> -> memref<500000x128xf32, #tpu.memory_space<hbm>>
      tpu.wait_indirect_dma semaphore(%arg13 : memref<!tpu.dma_semaphore, #tpu.memory_space<semaphore_mem>>) src(%dma_wait3A_147 : memref<500000x128xf32, #tpu.memory_space<hbm>>) dst(%arg9 : memref<128x128xf32, #tpu.memory_space<vmem>>)
      %ge3A_148 = arith.constant 2 : i32
      %ge3A_149 = arith.cmpi sge, %add3A_137, %ge3A_148 : i32
      %convert_element_type3A_150 = arith.extui %ge3A_149 : i1 to i32
      %cond3A_151 = arith.constant 0 : i32
      %cond3A_152 = arith.cmpi ne, %convert_element_type3A_150, %cond3A_151 : i32
      scf.if %cond3A_152 {
        %sub3A = arith.constant 2 : i32
        %sub3A_170 = arith.subi %add3A_137, %sub3A : i32
        %dma_wait3A_171 = arith.constant 0 : i32
        %dma_wait3A_172 = arith.constant 0 : i32
        %dma_wait3A_173 = tpu.memref_slice %arg11[%dma_wait3A_171, %dma_wait3A_172] : memref<64x129xf32, #tpu.memory_space<vmem>> -> memref<64x128xf32, #tpu.memory_space<vmem>>
        %dma_wait3A_174 = arith.constant 0 : i32
        %dma_wait3A_175 = tpu.memref_slice %arg4[%sub3A_170, %dma_wait3A_174, %mul3A_2] : memref<200x64x4096xf32, #tpu.memory_space<hbm>> -> memref<1x64x128xf32, #tpu.memory_space<hbm>>
        %dma_wait3A_176 = tpu.memref_squeeze %dma_wait3A_175 : memref<1x64x128xf32, #tpu.memory_space<hbm>> -> memref<64x128xf32, #tpu.memory_space<hbm>>
        %dma_wait3A_177 = arith.constant 0 : i32
        %dma_wait3A_178 = tpu.memref_slice %arg4[%sub3A_170, %dma_wait3A_177, %mul3A_2] : memref<200x64x4096xf32, #tpu.memory_space<hbm>> -> memref<1x64x128xf32, #tpu.memory_space<hbm>>
        %dma_wait3A_179 = tpu.memref_squeeze %dma_wait3A_178 : memref<1x64x128xf32, #tpu.memory_space<hbm>> -> memref<64x128xf32, #tpu.memory_space<hbm>>
        %dma_wait3A_180 = arith.constant 0 : i32
        %dma_wait3A_181 = arith.constant 0 : i32
        %dma_wait3A_182 = tpu.memref_slice %arg11[%dma_wait3A_180, %dma_wait3A_181] : memref<64x129xf32, #tpu.memory_space<vmem>> -> memref<64x128xf32, #tpu.memory_space<vmem>>
        tpu.wait_dma2 semaphore(%arg15 : memref<!tpu.dma_semaphore, #tpu.memory_space<semaphore_mem>>) src(%dma_wait3A_182 : memref<64x128xf32, #tpu.memory_space<vmem>>) dst(%dma_wait3A_179 : memref<64x128xf32, #tpu.memory_space<hbm>>)
      } else {
      }
      %broadcast_in_dim3A_153 = vector.broadcast %add3A_137 : i32 to vector<16xi32>
      %parallel_loop3A_154 = arith.constant 0 : i32
      %parallel_loop3A_155 = arith.constant 128 : i32
      %parallel_loop3A_156 = arith.constant 1 : i32
      scf.for %parallel_loop3A_170 = %parallel_loop3A_154 to %parallel_loop3A_155 step %parallel_loop3A_156  : i32 {
        %parallel_loop3A_171 = vector.broadcast %parallel_loop3A_170 : i32 to vector<16xi32>
        %parallel_loop3A_172 = tpu.vector_load_idx %arg5[%broadcast_in_dim3A_153, %parallel_loop3A_171] : memref<200x128xi32, #tpu.memory_space<vmem>>[vector<16xi32>, vector<16xi32>], vector<16xi32>,
        %parallel_loop3A_173 = arith.constant 1 : i32
        %parallel_loop3A_174 = vector.broadcast %parallel_loop3A_173 : i32 to vector<16xi32>
        %parallel_loop3A_175 = arith.andi %parallel_loop3A_172, %parallel_loop3A_174 : vector<16xi32>
        %parallel_loop3A_176 = arith.constant 64 : i32
        %parallel_loop3A_177 = vector.broadcast %parallel_loop3A_176 : i32 to vector<16xi32>
        %parallel_loop3A_178 = arith.muli %parallel_loop3A_175, %parallel_loop3A_177 : vector<16xi32>
        %parallel_loop3A_179 = arith.addi %parallel_loop3A_178, %iota3A : vector<16xi32>
        %parallel_loop3A_180 = arith.constant 0 : i32
        %parallel_loop3A_181 = vector.broadcast %parallel_loop3A_180 : i32 to vector<16xi32>
        %parallel_loop3A_182 = arith.addi %parallel_loop3A_179, %parallel_loop3A_181 : vector<16xi32>
        %parallel_loop3A_183 = tpu.vector_load_idx %arg9[%parallel_loop3A_171, %parallel_loop3A_182] : memref<128x128xf32, #tpu.memory_space<vmem>>[vector<16xi32>, vector<16xi32>], vector<16xf32>,
        %parallel_loop3A_184 = arith.constant 8.000000e+00 : f32
        %parallel_loop3A_185 = vector.broadcast %parallel_loop3A_184 : f32 to vector<16xf32>
        %parallel_loop3A_186 = arith.mulf %parallel_loop3A_183, %parallel_loop3A_185 : vector<16xf32>
        %parallel_loop3A_187 = arith.constant 0 : i32
        %parallel_loop3A_188 = vector.broadcast %parallel_loop3A_187 : i32 to vector<16xi32>
        %parallel_loop3A_189 = arith.addi %parallel_loop3A_188, %iota3A : vector<16xi32>
        tpu.vector_store_idx %arg11[%parallel_loop3A_189, %parallel_loop3A_171], %parallel_loop3A_186 : memref<64x129xf32, #tpu.memory_space<vmem>>[vector<16xi32>, vector<16xi32>], vector<16xf32>,
        %parallel_loop3A_190 = arith.constant 16 : i32
        %parallel_loop3A_191 = vector.broadcast %parallel_loop3A_190 : i32 to vector<16xi32>
        %parallel_loop3A_192 = arith.addi %parallel_loop3A_179, %parallel_loop3A_191 : vector<16xi32>
        %parallel_loop3A_193 = tpu.vector_load_idx %arg9[%parallel_loop3A_171, %parallel_loop3A_192] : memref<128x128xf32, #tpu.memory_space<vmem>>[vector<16xi32>, vector<16xi32>], vector<16xf32>,
        %parallel_loop3A_194 = arith.constant 8.000000e+00 : f32
        %parallel_loop3A_195 = vector.broadcast %parallel_loop3A_194 : f32 to vector<16xf32>
        %parallel_loop3A_196 = arith.mulf %parallel_loop3A_193, %parallel_loop3A_195 : vector<16xf32>
        %parallel_loop3A_197 = arith.constant 16 : i32
        %parallel_loop3A_198 = vector.broadcast %parallel_loop3A_197 : i32 to vector<16xi32>
        %parallel_loop3A_199 = arith.addi %parallel_loop3A_198, %iota3A : vector<16xi32>
        tpu.vector_store_idx %arg11[%parallel_loop3A_199, %parallel_loop3A_171], %parallel_loop3A_196 : memref<64x129xf32, #tpu.memory_space<vmem>>[vector<16xi32>, vector<16xi32>], vector<16xf32>,
        %parallel_loop3A_200 = arith.constant 32 : i32
        %parallel_loop3A_201 = vector.broadcast %parallel_loop3A_200 : i32 to vector<16xi32>
        %parallel_loop3A_202 = arith.addi %parallel_loop3A_179, %parallel_loop3A_201 : vector<16xi32>
        %parallel_loop3A_203 = tpu.vector_load_idx %arg9[%parallel_loop3A_171, %parallel_loop3A_202] : memref<128x128xf32, #tpu.memory_space<vmem>>[vector<16xi32>, vector<16xi32>], vector<16xf32>,
        %parallel_loop3A_204 = arith.constant 8.000000e+00 : f32
        %parallel_loop3A_205 = vector.broadcast %parallel_loop3A_204 : f32 to vector<16xf32>
        %parallel_loop3A_206 = arith.mulf %parallel_loop3A_203, %parallel_loop3A_205 : vector<16xf32>
        %parallel_loop3A_207 = arith.constant 32 : i32
        %parallel_loop3A_208 = vector.broadcast %parallel_loop3A_207 : i32 to vector<16xi32>
        %parallel_loop3A_209 = arith.addi %parallel_loop3A_208, %iota3A : vector<16xi32>
        tpu.vector_store_idx %arg11[%parallel_loop3A_209, %parallel_loop3A_171], %parallel_loop3A_206 : memref<64x129xf32, #tpu.memory_space<vmem>>[vector<16xi32>, vector<16xi32>], vector<16xf32>,
        %parallel_loop3A_210 = arith.constant 48 : i32
        %parallel_loop3A_211 = vector.broadcast %parallel_loop3A_210 : i32 to vector<16xi32>
        %parallel_loop3A_212 = arith.addi %parallel_loop3A_179, %parallel_loop3A_211 : vector<16xi32>
        %parallel_loop3A_213 = tpu.vector_load_idx %arg9[%parallel_loop3A_171, %parallel_loop3A_212] : memref<128x128xf32, #tpu.memory_space<vmem>>[vector<16xi32>, vector<16xi32>], vector<16xf32>,
        %parallel_loop3A_214 = arith.constant 8.000000e+00 : f32
        %parallel_loop3A_215 = vector.broadcast %parallel_loop3A_214 : f32 to vector<16xf32>
        %parallel_loop3A_216 = arith.mulf %parallel_loop3A_213, %parallel_loop3A_215 : vector<16xf32>
        %parallel_loop3A_217 = arith.constant 48 : i32
        %parallel_loop3A_218 = vector.broadcast %parallel_loop3A_217 : i32 to vector<16xi32>
        %parallel_loop3A_219 = arith.addi %parallel_loop3A_218, %iota3A : vector<16xi32>
        tpu.vector_store_idx %arg11[%parallel_loop3A_219, %parallel_loop3A_171], %parallel_loop3A_216 : memref<64x129xf32, #tpu.memory_space<vmem>>[vector<16xi32>, vector<16xi32>], vector<16xf32>,
      } {sc.loop_unroll_factor = 4 : i64, sc.parallel_access}
      %dma_start3A_157 = arith.constant 0 : i32
      %dma_start3A_158 = arith.constant 0 : i32
      %dma_start3A_159 = tpu.memref_slice %arg11[%dma_start3A_157, %dma_start3A_158] : memref<64x129xf32, #tpu.memory_space<vmem>> -> memref<64x128xf32, #tpu.memory_space<vmem>>
      %dma_start3A_160 = arith.constant 0 : i32
      %dma_start3A_161 = tpu.memref_slice %arg4[%add3A_137, %dma_start3A_160, %mul3A_2] : memref<200x64x4096xf32, #tpu.memory_space<hbm>> -> memref<1x64x128xf32, #tpu.memory_space<hbm>>
      %dma_start3A_162 = tpu.memref_squeeze %dma_start3A_161 : memref<1x64x128xf32, #tpu.memory_space<hbm>> -> memref<64x128xf32, #tpu.memory_space<hbm>>
      %dma_start3A_163 = arith.constant 0 : i32
      %dma_start3A_164 = tpu.memref_slice %arg4[%add3A_137, %dma_start3A_163, %mul3A_2] : memref<200x64x4096xf32, #tpu.memory_space<hbm>> -> memref<1x64x128xf32, #tpu.memory_space<hbm>>
      %dma_start3A_165 = tpu.memref_squeeze %dma_start3A_164 : memref<1x64x128xf32, #tpu.memory_space<hbm>> -> memref<64x128xf32, #tpu.memory_space<hbm>>
      %dma_start3A_166 = arith.constant 0 : i32
      %dma_start3A_167 = arith.constant 0 : i32
      %dma_start3A_168 = tpu.memref_slice %arg11[%dma_start3A_166, %dma_start3A_167] : memref<64x129xf32, #tpu.memory_space<vmem>> -> memref<64x128xf32, #tpu.memory_space<vmem>>
      tpu.enqueue_dma source(%dma_start3A_168 : memref<64x128xf32, #tpu.memory_space<vmem>>) target(%dma_start3A_165 : memref<64x128xf32, #tpu.memory_space<hbm>>) target_semaphore(%arg15 : memref<!tpu.dma_semaphore, #tpu.memory_space<semaphore_mem>>)
      %scan3A_169 = arith.constant 0 : i32
      scf.yield %scan3A_169 : i32
    }
    %scan3A_79 = arith.constant 100 : i32
    %dma_wait3A = arith.constant 198 : i32
    %dma_wait3A_80 = arith.constant 0 : i32
    %dma_wait3A_81 = arith.constant 0 : i32
    %dma_wait3A_82 = tpu.memref_slice %arg10[%dma_wait3A_80, %dma_wait3A_81] : memref<64x129xf32, #tpu.memory_space<vmem>> -> memref<64x128xf32, #tpu.memory_space<vmem>>
    %dma_wait3A_83 = arith.constant 0 : i32
    %dma_wait3A_84 = tpu.memref_slice %arg4[%dma_wait3A, %dma_wait3A_83, %mul3A_2] : memref<200x64x4096xf32, #tpu.memory_space<hbm>> -> memref<1x64x128xf32, #tpu.memory_space<hbm>>
    %dma_wait3A_85 = tpu.memref_squeeze %dma_wait3A_84 : memref<1x64x128xf32, #tpu.memory_space<hbm>> -> memref<64x128xf32, #tpu.memory_space<hbm>>
    %dma_wait3A_86 = arith.constant 0 : i32
    %dma_wait3A_87 = tpu.memref_slice %arg4[%dma_wait3A, %dma_wait3A_86, %mul3A_2] : memref<200x64x4096xf32, #tpu.memory_space<hbm>> -> memref<1x64x128xf32, #tpu.memory_space<hbm>>
    %dma_wait3A_88 = tpu.memref_squeeze %dma_wait3A_87 : memref<1x64x128xf32, #tpu.memory_space<hbm>> -> memref<64x128xf32, #tpu.memory_space<hbm>>
    %dma_wait3A_89 = arith.constant 0 : i32
    %dma_wait3A_90 = arith.constant 0 : i32
    %dma_wait3A_91 = tpu.memref_slice %arg10[%dma_wait3A_89, %dma_wait3A_90] : memref<64x129xf32, #tpu.memory_space<vmem>> -> memref<64x128xf32, #tpu.memory_space<vmem>>
    tpu.wait_dma2 semaphore(%arg14 : memref<!tpu.dma_semaphore, #tpu.memory_space<semaphore_mem>>) src(%dma_wait3A_91 : memref<64x128xf32, #tpu.memory_space<vmem>>) dst(%dma_wait3A_88 : memref<64x128xf32, #tpu.memory_space<hbm>>)
    %dma_wait3A_92 = arith.constant 199 : i32
    %dma_wait3A_93 = arith.constant 0 : i32
    %dma_wait3A_94 = arith.constant 0 : i32
    %dma_wait3A_95 = tpu.memref_slice %arg11[%dma_wait3A_93, %dma_wait3A_94] : memref<64x129xf32, #tpu.memory_space<vmem>> -> memref<64x128xf32, #tpu.memory_space<vmem>>
    %dma_wait3A_96 = arith.constant 0 : i32
    %dma_wait3A_97 = tpu.memref_slice %arg4[%dma_wait3A_92, %dma_wait3A_96, %mul3A_2] : memref<200x64x4096xf32, #tpu.memory_space<hbm>> -> memref<1x64x128xf32, #tpu.memory_space<hbm>>
    %dma_wait3A_98 = tpu.memref_squeeze %dma_wait3A_97 : memref<1x64x128xf32, #tpu.memory_space<hbm>> -> memref<64x128xf32, #tpu.memory_space<hbm>>
    %dma_wait3A_99 = arith.constant 0 : i32
    %dma_wait3A_100 = tpu.memref_slice %arg4[%dma_wait3A_92, %dma_wait3A_99, %mul3A_2] : memref<200x64x4096xf32, #tpu.memory_space<hbm>> -> memref<1x64x128xf32, #tpu.memory_space<hbm>>
    %dma_wait3A_101 = tpu.memref_squeeze %dma_wait3A_100 : memref<1x64x128xf32, #tpu.memory_space<hbm>> -> memref<64x128xf32, #tpu.memory_space<hbm>>
    %dma_wait3A_102 = arith.constant 0 : i32
    %dma_wait3A_103 = arith.constant 0 : i32
    %dma_wait3A_104 = tpu.memref_slice %arg11[%dma_wait3A_102, %dma_wait3A_103] : memref<64x129xf32, #tpu.memory_space<vmem>> -> memref<64x128xf32, #tpu.memory_space<vmem>>
    tpu.wait_dma2 semaphore(%arg15 : memref<!tpu.dma_semaphore, #tpu.memory_space<semaphore_mem>>) src(%dma_wait3A_104 : memref<64x128xf32, #tpu.memory_space<vmem>>) dst(%dma_wait3A_101 : memref<64x128xf32, #tpu.memory_space<hbm>>)
    return
  }
}

</mosaic_0001>

<sc_bundles>
// kernel: kernel.3.cloned.1.call-start
scs
__scs_entry_jumppad:
0x0: {  	(pc) =	sbr.rel $0x88, $3  }
0x1: {  	(tag) =	ssettag $0x0;
	lr =	simm.s32 $0x1  }
0x2: {  	[smem:$0x3F9F] =	sst lr;
	_ =	strace $0xD0000000  }
0x3: {  	_ = 	snop  }
0x4: {  	_ = 	snop  }
0x5: {  	_ = 	snop  }
0x6: {  	_ = 	snop  }
0x7: {  	_ = 	snop  }
__scs_overlays_trampoline_lowered:
0x8: {  	[smem:$0x3FAE] =	sst s0  }
0x9: {  	[smem:$0x3FAF] =	sst s1  }
0xa: {  	[smem:$0x3FB0] =	sst s2  }
0xb: {  	[smem:$0x3FB1] =	sst s3  }
0xc: {  	[smem:$0x3FB2] =	sst s4  }
0xd: {  	[smem:$0x3FB3] =	sst s5  }
0xe: {  	[smem:$0x3FB4] =	sst s6  }
0xf: {  	[smem:$0x3FB5] =	sst s7  }
0x10: {  	[smem:$0x3FB6] =	sst s8  }
0x11: {  	[smem:$0x3FB7] =	sst s9;
	s0 =	simm.s32 @!p0 $0x0  }
0x12: {  	s1 =	sld [smem:$0x3F9D];
	s0 =	simm.s32 @p0 $0x1  }
0x13: {  	[smem:$0x3FB8] =	sst s0;
	s0 =	simm.s32 @!p1 $0x0  }
0x14: {  	s2 =	sld [smem:$0x3F9C];
	s0 =	simm.s32 @p1 $0x1  }
0x15: {  	[smem:$0x3FB9] =	sst s0;
	s0 =	simm.s32 @!p2 $0x0  }
0x16: {  	s3 =	sld [smem:$0x3FDB];
	s0 =	simm.s32 @p2 $0x1  }
0x17: {  	s4 =	simm.s32 $0x1BF5;
	[smem:$0x3FBB] =	sst s0  }
0x18: {  	s0 =	sld [smem:$0x3F9E];
	_ =	swait.ge [sflag:s4], $0x0  }
0x19: {  	s7 =	sld [smem:$0x3F9F]  }
0x1a: {  	s8 =	sadd.s32 $0xFFFFE003, lr  }
0x1b: {  	s9 =	sadd.s32 $0xFFFFFEF7, lr;
	s5 =	simm.s32 $0xFFFFFFFF;
	p2 =	slt.u32 s8, $0xFFFFF086  }
0x1c: {  	p1 =	slt.u32 s9, $0xF7A;
	s5 =	simm.s32 @!p2 $0x0  }
0x1d: {  	s5 =	simm.s32 @p1 $0x1;
	p0 =	seq.s32 s7, s2  }
0x1e: {  	s7 =	smul.u32 @!p0 $0xF7A, s2;
	p2 =	seq.s32 @!p0 s5, $0x0  }
0x1f: {  	s9 =	smul.u32 $0xF7A, s1;
	s8 =	simm.s32 @!p0 $0x1BF5;
	p2 =	por !p2, p0  }
0x20: {  	[sflag:s8] =	ssyncset.s32 @!p0 $0xFFFFF086;
	s6 =	sadd.s32 @!p0 s3, s7;
	s7 =	simm.s32 @!p0 $0x108  }
0x21: {  	s3 =	sadd.s32 s3, s9;
	s6 =	sadd.s32 @!p0 $0x88, s6;
	s7 =	simm.s32 @p2 $0x1082  }
0x22: {  	[simem:s7], [sflag:s8] =	dma.local @!p0 [hbm:s6], $0xF7A  }
0x23: {  	s9 =	sor.u32 $0xD0000000, s2;
	s6 =	simm.s32 $0x108;
	_ =	swait.ge @!p0 [sflag:s8], $0x0  }
0x24: {  	s3 =	sadd.s32 $0x88, s3;
	s6 =	simm.s32 @!p1 $0x1082;
	[sflag:s4] =	ssyncset.s32 $0xFFFFF086  }
0x25: {  	[simem:s6], [sflag:s4] =	dma.local [hbm:s3], $0xF7A  }
0x26: {  	[smem:$0x3F9F] =	sst s1;
	(tag) =	ssettag s2;
	_ =	strace s9  }
0x27: {  	s1 =	sld [smem:$0x3FAF]  }
0x28: {  	s2 =	sld [smem:$0x3FB0]  }
0x29: {  	s4 =	sld [smem:$0x3FB2]  }
0x2a: {  	p0 =	seq.s32 s5, $0x0;
	s5 =	sld [smem:$0x3FB3]  }
0x2b: {  	s6 =	sld [smem:$0x3FB4]  }
0x2c: {  	s7 =	sld [smem:$0x3FB5]  }
0x2d: {  	s3 =	simm.s32 $0x108;
	s8 =	sld [smem:$0x3FB6]  }
0x2e: {  	s3 =	simm.s32 @!p0 $0x1082;
	s9 =	sld [smem:$0x3FB7]  }
0x2f: {  	lr =	sadd.s32 s0, s3;
	s0 =	sld [smem:$0x3FAE]  }
0x30: {  	s3 =	sld [smem:$0x3FB1]  }
0x31: {  	[smem:$0x3FBA] =	sst s10  }
0x32: {  	s10 =	sld [smem:$0x3FB8];
	_ =	sdelay $0x3  }
0x33: {  	p0 =	seq.s32 s10, $0x1;
	s10 =	sld [smem:$0x3FBA];
	_ =	sdelay $0x3  }
0x34: {  	[smem:$0x3FBA] =	sst s10  }
0x35: {  	s10 =	sld [smem:$0x3FB9];
	_ =	sdelay $0x3  }
0x36: {  	p1 =	seq.s32 s10, $0x1;
	s10 =	sld [smem:$0x3FBA];
	_ =	sdelay $0x3  }
0x37: {  	[smem:$0x3FBA] =	sst s10  }
0x38: {  	s10 =	sld [smem:$0x3FBB]  }
0x39: {  	_ = 	snop;
	(pc) =	sbr.ind lr, $3  }
0x3a: {  	_ = 	snop  }
0x3b: {  	_ = 	snop  }
0x3c: {  	p2 =	seq.s32 s10, $0x1;
	s10 =	sld [smem:$0x3FBA]  }
0x3d: {  	_ =	shalt  }
0x3e: {  	_ =	shalt  }
0x3f: {  	_ =	shalt  }
0x40: {  	_ =	shalt  }
0x41: {  	_ =	shalt  }
0x42: {  	_ =	shalt  }
0x43: {  	_ =	shalt  }
0x44: {  	_ =	shalt  }
0x45: {  	_ =	shalt  }
0x46: {  	_ =	shalt  }
0x47: {  	_ =	shalt  }
0x48: {  	_ =	shalt  }
0x49: {  	_ =	shalt  }
0x4a: {  	_ =	shalt  }
0x4b: {  	_ =	shalt  }
0x4c: {  	_ =	shalt  }
0x4d: {  	_ =	shalt  }
0x4e: {  	_ =	shalt  }
0x4f: {  	_ =	shalt  }
0x50: {  	_ =	shalt  }
0x51: {  	_ =	shalt  }
0x52: {  	_ =	shalt  }
0x53: {  	_ =	shalt  }
0x54: {  	_ =	shalt  }
0x55: {  	_ =	shalt  }
0x56: {  	_ =	shalt  }
0x57: {  	_ =	shalt  }
0x58: {  	_ =	shalt  }
0x59: {  	_ =	shalt  }
0x5a: {  	_ =	shalt  }
0x5b: {  	_ =	shalt  }
0x5c: {  	_ =	shalt  }
0x5d: {  	_ =	shalt  }
0x5e: {  	_ =	shalt  }
0x5f: {  	_ =	shalt  }
0x60: {  	_ =	shalt  }
0x61: {  	_ =	shalt  }
0x62: {  	_ =	shalt  }
0x63: {  	_ =	shalt  }
0x64: {  	_ =	shalt  }
0x65: {  	_ =	shalt  }
0x66: {  	_ =	shalt  }
0x67: {  	_ =	shalt  }
0x68: {  	_ =	shalt  }
0x69: {  	_ =	shalt  }
0x6a: {  	_ =	shalt  }
0x6b: {  	_ =	shalt  }
0x6c: {  	_ =	shalt  }
0x6d: {  	_ =	shalt  }
0x6e: {  	_ =	shalt  }
0x6f: {  	_ =	shalt  }
0x70: {  	_ =	shalt  }
0x71: {  	_ =	shalt  }
0x72: {  	_ =	shalt  }
0x73: {  	_ =	shalt  }
0x74: {  	_ =	shalt  }
0x75: {  	_ =	shalt  }
0x76: {  	_ =	shalt  }
0x77: {  	_ =	shalt  }
0x78: {  	_ =	shalt  }
0x79: {  	_ =	shalt  }
0x7a: {  	_ =	shalt  }
0x7b: {  	_ =	shalt  }
0x7c: {  	_ =	shalt  }
0x7d: {  	_ =	shalt  }
0x7e: {  	_ =	shalt  }
0x7f: {  	_ =	shalt  }
0x80: {  	_ =	shalt  }
0x81: {  	_ =	shalt  }
0x82: {  	_ =	shalt  }
0x83: {  	_ =	shalt  }
0x84: {  	_ =	shalt  }
0x85: {  	_ =	shalt  }
0x86: {  	_ =	shalt  }
0x87: {  	_ =	shalt  }
.Lfunc_end0:
.L_simem_size_0:
called_computation_lowered:
.L_overlay_start_0:
0x88: {  	s2 =	sld [smem:$0x3FD9]  }
0x89: {  	s3 =	sld [smem:$0x3FFE];
	_ =	sdelay $0x1  }
0x8a: {  	s1 =	srdreg.scid  }
0x8b: {  	s0 =	sand.u32 $0x1, s1  }
0x8c: {  	s17 =	sshll.u32 s0, $0xA;
	s2 =	sadd.s32 s3, s2  }
0x8d: {  	s2 =	sadd.s32 s2, s17  }
0x8e: {  	[smem:$0x3FC6] =	sst s2  }
0x8f: {  	_ = 	snop  }
0x90: {  	s2 =	sld [smem:$0x3FC9]  }
0x91: {  	s18 =	sld [smem:$0x3FD0];
	(tm) =	ssettm $0x1  }
0x92: {  	s4 =	sld [smem:$0x3FFB];
	_ =	sdelay $0x3  }
0x93: {  	_ =	strace s4  }
0x94: {  	s4 =	sld [smem:$0x3FFC];
	_ =	sdelay $0x3  }
0x95: {  	_ =	strace s4  }
0x96: {  	s4 =	sld [smem:$0x3FFD];
	_ =	sdelay $0x3  }
0x97: {  	_ =	strace s4  }
0x98: {  	_ =	strace $0x8FFFFFFF  }
0x99: {  	s19 =	sld [smem:$0x3FDB];
	_ =	sdelay $0x1  }
0x9a: {  	s5 =	simm.s32 $_scs_section_size  }
0x9b: {  	s6 =	simm.s32 $_size__tile_overlayer_lowered;
	s7 =	simm.s32 $_tile_overlayer_lowered  }
0x9c: {  	s22 =	simm.s32 $0x1BFF;
	s21 =	sshll.u32 s7, $0x1;
	s4 =	sadd.s32 s5, s19  }
0x9d: {  	s8 =	simm.s32 $0x0;
	s20 =	sshll.u32 s6, $0x1;
	s6 =	sadd.s32 s21, s4  }
0x9e: {  	[timem:s8], [sflag:s22] =	dma.local [hbm:s6], s20  }
0x9f: {  	_ =	swait.ge [sflag:s22], s20  }
0xa0: {  	s5 =	ssub.s32 $0x0, s20;
	[sflag:s22] =	ssyncset.done $0x0  }
0xa1: {  	[sflag:s22] =	ssyncadd.s32 s5;
	_ =	sdelay $0x1  }
0xa2: {  	s23 =	simm.s32 $0x1B8B  }
0xa3: {  	_ =	swait.ge [sflag:s23], $0x1  }
0xa4: {  	[sflag:s23] =	ssyncset.done $0x0  }
0xa5: {  	s25 =	simm.s32 $0x1B8E;
	s24 =	sld [smem:$0x3FFE];
	[sflag:s23] =	ssyncadd.s32 $0xFFFFFFFF  }
0xa6: {  	s26 =	simm.s32 $execute0_lowered;
	[smem:$0x3FD2] =	sst s25  }
0xa7: {  	s6 =	sshll.u32 s26, $0x1;
	_ =	strace $0x80000046;
	[dreg:$0x1] =	wrdreg $0xFFFFFFFF  }
0xa8: {  	s28 =	simm.s32 $_size_execute0_lowered;
	s4 =	sadd.s32 s4, s6;
	[dreg:$0x0] =	wrdreg $0x0  }
0xa9: {  	s6 =	sshll.u32 s28, $0x1;
	[dreg:$0x2] =	wrdreg s4  }
0xaa: {  	[dreg:$0x3] =	wrdreg s6  }
0xab: {  	[dreg:$0x4] =	wrdreg $0xC0  }
0xac: {  	_ =	task [dreg:s8], $0x5FFFF  }
0xad: {  	[dreg:$0x1] =	wrdreg $0xFFFFFFFF  }
0xae: {  	[dreg:$0x0] =	wrdreg $0x60  }
0xaf: {  	[dreg:$0x2] =	wrdreg s2  }
0xb0: {  	[dreg:$0x3] =	wrdreg s24  }
0xb1: {  	[dreg:$0x4] =	wrdreg s18  }
0xb2: {  	[dreg:$0x5] =	wrdreg $0x9  }
0xb3: {  	_ =	task.clear_ibuf [dreg:s8], $0x6FFFF;
	_ =	strace $0x90000046  }
0xb4: {  	s29 =	simm.s32 $0x9;
	_ =	strace $0x80000048  }
0xb5: {  	_ =	swait.ge [sflag:s29], $0x1  }
0xb6: {  	[sflag:s29] =	ssyncadd.s32 $0xFFFFFFFF  }
0xb7: {  	_ =	strace $0x90000048  }
0xb8: {  	_ =	sfence  }
0xb9: {  	s30 =	sld [smem:$0x0];
	_ =	sdelay $0x2  }
0xba: {  	s31 =	sshll.u32 s1, $0xD;
	s1 =	sshrl.u32 s1, $0x2  }
0xbb: {  	s3 =	sand.u32 $0x4000, s31;
	s1 =	sadd.s32 s1, s30  }
0xbc: {  	s0 =	sor.u32 s3, s0;
	s1 =	sshll.u32 s1, $0x11  }
0xbd: {  	s0 =	sor.u32 s1, s0  }
0xbe: {  	s0 =	sadd.s32 $0x8F2B, s0  }
0xbf: {  	[sflag:s0] =	ssyncadd.remote.s32 $0x1  }
0xc0: {  	_ =	sfence.sel $0xFFFF  }
0xc1: {  	[dreg:$0x0] =	wrdreg $0xFFFFFFFF;
	(pc) =	sbr.abs _section_cstart, $3  }
0xc2: {  	[dreg:$0x1] =	wrdreg $0xFFFFFFFF  }
0xc3: {  	_ =	task.clear_ibuf [dreg:s8], $0x2FFFF;
	_ =	strace $0x9FFFFFFF  }
0xc4: {  	(tm) =	ssettm $0x7FFFFFFF  }
0xc5: {  	_ =	shalt  }
tec
execute0_lowered:
.L_overlay_start_1:
0x0: {  	(tag) =	ssettag $0x1  }
0x1: {  	v0 =	vimm.s32 $0xB80;
	vm14 =	vcmask $0x300  }
0x2: {  	vm13 =	vcmask $0x704;
	vm12 =	vcmask $0xB08;
	vm11 =	vcmask $0xF0C  }
0x3: {  	vm10 =	vcmask $0x1310;
	vm9 =	vcmask $0x1714;
	vm8 =	vcmask $0x1B18  }
0x4: {  	vm7 =	vcmask $0x1F1C;
	vm6 =	vcmask $0x2320;
	vm5 =	vcmask $0x2724  }
0x5: {  	vm4 =	vcmask $0x2B28;
	vm3 =	vcmask $0x2F2C;
	vm2 =	vcmask $0x3330  }
0x6: {  	vm1 =	vcmask $0x3734;
	vm0 =	vcmask $0x3B38;
	v3 =	vimm.s32 $0x1B80  }
0x7: {  	v4 =	vimm.s32 $0x2B80;
	v5 =	vimm.s32 $0x3B80;
	v0 =	vsel vm14, $0x0, v0  }
0x8: {  	v3 =	vsel vm14, $0x1000, v3;
	v4 =	vsel vm14, $0x2000, v4;
	v5 =	vsel vm14, $0x3000, v5  }
0x9: {  	v0 =	vsel vm13, $0x80, v0;
	v3 =	vsel vm13, $0x1080, v3;
	v4 =	vsel vm13, $0x2080, v4  }
0xa: {  	v5 =	vsel vm13, $0x3080, v5;
	v0 =	vsel vm12, $0x100, v0;
	v3 =	vsel vm12, $0x1100, v3  }
0xb: {  	v4 =	vsel vm12, $0x2100, v4;
	v5 =	vsel vm12, $0x3100, v5;
	v0 =	vsel vm11, $0x180, v0  }
0xc: {  	v3 =	vsel vm11, $0x1180, v3;
	v4 =	vsel vm11, $0x2180, v4;
	v5 =	vsel vm11, $0x3180, v5  }
0xd: {  	v0 =	vsel vm10, $0x200, v0;
	v3 =	vsel vm10, $0x1200, v3;
	v4 =	vsel vm10, $0x2200, v4  }
0xe: {  	v5 =	vsel vm10, $0x3200, v5;
	v0 =	vsel vm9, $0x280, v0;
	v3 =	vsel vm9, $0x1280, v3  }
0xf: {  	v4 =	vsel vm9, $0x2280, v4;
	v5 =	vsel vm9, $0x3280, v5;
	v0 =	vsel vm8, $0x300, v0  }
0x10: {  	s0 =	rddreg [dreg:$0x0];
	v3 =	vsel vm8, $0x1300, v3;
	v4 =	vsel vm8, $0x2300, v4;
	v5 =	vsel vm8, $0x3300, v5  }
0x11: {  	s2 =	rddreg [dreg:$0x1];
	v0 =	vsel vm7, $0x380, v0;
	v3 =	vsel vm7, $0x1380, v3;
	v4 =	vsel vm7, $0x2380, v4  }
0x12: {  	s1 =	rddreg [dreg:$0x2];
	s3 =	srdreg.scid;
	v5 =	vsel vm7, $0x3380, v5;
	v0 =	vsel vm6, $0x800, v0;
	v3 =	vsel vm6, $0x1800, v3  }
0x13: {  	s6 =	stileid.u32;
	s11 =	simm.s32 $0x80;
	s13 =	simm.s32 $0x6500;
	v4 =	vsel vm6, $0x2800, v4;
	v5 =	vsel vm6, $0x3800, v5;
	v0 =	vsel vm5, $0x880, v0  }
0x14: {  	s15 =	simm.s32 $0xA500;
	s16 =	simm.s32 $0x1;
	s17 =	simm.s32 $0xE500;
	v3 =	vsel vm5, $0x1880, v3;
	v4 =	vsel vm5, $0x2880, v4;
	v5 =	vsel vm5, $0x3880, v5  }
0x15: {  	s25 =	simm.s32 $0x2;
	s26 =	simm.s32 $0x4;
	s28 =	simm.s32 $0x12500;
	v0 =	vsel vm4, $0x900, v0;
	v3 =	vsel vm4, $0x1900, v3;
	v4 =	vsel vm4, $0x2900, v4  }
0x16: {  	s9 =	simm.s32 $0x15D00;
	s4 =	sand.u32 $0x1, s3;
	s3 =	simm.s32 $0x0;
	v5 =	vsel vm4, $0x3900, v5;
	v1 =	vsel vm3, $0x980, v0;
	v0 =	vlaneseq.u32  }
0x17: {  	s6 =	sshll.u32 s6, $0xA;
	s5 =	sshll.u32 s4, $0xE;
	[smem:$0x7FF] =	sst s3;
	v3 =	vsel vm3, $0x1980, v3;
	v4 =	vsel vm3, $0x2980, v4;
	v5 =	vsel vm3, $0x3980, v5  }
0x18: {  	s7 =	ssub.s32 $0x2, s4;
	s4 =	sor.u32 s6, s5;
	_ =	strace $0x80000047;
	v1 =	vsel vm2, $0xA00, v1;
	v2 =	vor.u32 $0x10, v0;
	v3 =	vsel vm2, $0x1A00, v3  }
0x19: {  	s29 =	sshrl.u32 s7, $0x1;
	s5 =	sadd.s32 $0xF42800, s2;
	s8 =	sshrl.u32 s4, $0x3;
	v6 =	vsel vm2, $0x2A00, v4;
	v5 =	vsel vm2, $0x3A00, v5;
	v4 =	vor.u32 $0x20, v0  }
0x1a: {  	s2 =	simm.s32 $0x14D00;
	s30 =	ssub.s32 s7, s29;
	s0 =	sadd.s32 s0, s8;
	v1 =	vsel vm1, $0xA80, v1;
	v3 =	vsel vm1, $0x1A80, v3;
	v6 =	vsel vm1, $0x2A80, v6  }
0x1b: {  	s7 =	simm.s32 $0x0;
	s31 =	smax.u32 s30, $0x1;
	[dreg:$0x4] =	wrdreg s0;
	v7 =	vsel vm1, $0x3A80, v5;
	v1 =	vsel vm0, $0xB00, v1;
	v3 =	vsel vm0, $0x1B00, v3  }
0x1c: {  	s8 =	simm.s32 $0x15500;
	[dreg:$0x5] =	wrdreg s31;
	s0 =	simm.s32 $0x14500;
	v5 =	vsel vm0, $0x2B00, v6;
	v6 =	vor.u32 $0x30, v0;
	v7 =	vsel vm0, $0x3B00, v7  }
.LBB2_1:
0x1d: {  	[dreg:$0x6] =	wrdreg s7  }
0x1e: {  	s6 =	rddreg [dreg:$0x4]  }
0x1f: {  	s29 =	simm.s32 $0x400;
	s10 =	simm.s32 $0x8000;
	s30 =	simm.s32 $0x5  }
0x20: {  	[tilespmem:s3], [sflag:$0x5] =	stream.strided.gather [hbm4b:s6+s29], $0x6400, s10, s29, $0x38;
	[tilespmem:$0x16500] =	vst v63  }
0x21: {  	_ =	swait.ge [sflag:s30], $0x6400  }
0x22: {  	[sflag:s30] =	ssyncset.done $0x0  }
0x23: {  	[sflag:s30] =	ssyncadd.s32 $0xFFFF9C00  }
0x24: {  	v8 =	vld [tilespmem:$0x0]  }
0x25: {  	v9 =	vld [tilespmem:$0x10]  }
0x26: {  	v10 =	vld [tilespmem:$0x20]  }
0x27: {  	v11 =	vld [tilespmem:$0x30]  }
0x28: {  	v12 =	vld [tilespmem:$0x40]  }
0x29: {  	v13 =	vld [tilespmem:$0x50];
	v8 =	vshrl.u32 v8, $0x1  }
0x2a: {  	v62 =	vld [tilespmem:$0x60];
	[tilespmem:$0x6400] =	vst v8;
	v8 =	vshrl.u32 v9, $0x1  }
0x2b: {  	v63 =	vld [tilespmem:$0x70];
	[tilespmem:$0x6410] =	vst v8;
	v8 =	vshrl.u32 v10, $0x1  }
0x2c: {  	[tilespmem:$0x6420] =	vst v8;
	v8 =	vshrl.u32 v11, $0x1  }
0x2d: {  	[tilespmem:$0x6430] =	vst v8;
	v8 =	vshrl.u32 v12, $0x1  }
0x2e: {  	[tilespmem:$0x6440] =	vst v8;
	v8 =	vshrl.u32 v13, $0x1  }
0x2f: {  	[tilespmem:$0x6450] =	vst v8;
	v8 =	vshrl.u32 v62, $0x1  }
0x30: {  	[tilespmem:$0x6460] =	vst v8;
	v8 =	vshrl.u32 v63, $0x1  }
0x31: {  	s31 =	simm.s32 $0x6400;
	s10 =	simm.s32 $0x0;
	[tilespmem:$0x6470] =	vst v8  }
0x32: {  	[tilespmem:s13], [sflag:$0x1] =	stream.indirect.gather [hbm4b:s5+s11], $0x80, s31, s11, $0xb8;
	[tilespmem:$0x16500] =	vst v63  }
.LBB2_2:
0x33: {  	s6 =	sshllo.u32 s10, $0x1  }
0x34: {  	s7 =	sshll.u32 s6, $0x7  }
0x35: {  	s12 =	sand.u32 $0x3FFFFF80, s7  }
0x36: {  	v8 =	vld [tilespmem:s12+$0x0];
	_ =	sdelay $0x4  }
0x37: {  	v8 =	vshrl.u32 v8, $0x1  }
0x38: {  	[tilespmem:$0x6480] =	vst v8  }
0x39: {  	v8 =	vld [tilespmem:s12+$0x10];
	_ =	sdelay $0x4  }
0x3a: {  	v8 =	vshrl.u32 v8, $0x1  }
0x3b: {  	[tilespmem:$0x6490] =	vst v8  }
0x3c: {  	v8 =	vld [tilespmem:s12+$0x20];
	_ =	sdelay $0x4  }
0x3d: {  	v8 =	vshrl.u32 v8, $0x1  }
0x3e: {  	[tilespmem:$0x64A0] =	vst v8  }
0x3f: {  	v8 =	vld [tilespmem:s12+$0x30];
	_ =	sdelay $0x4  }
0x40: {  	v8 =	vshrl.u32 v8, $0x1  }
0x41: {  	[tilespmem:$0x64B0] =	vst v8  }
0x42: {  	v8 =	vld [tilespmem:s12+$0x40];
	_ =	sdelay $0x4  }
0x43: {  	v8 =	vshrl.u32 v8, $0x1  }
0x44: {  	[tilespmem:$0x64C0] =	vst v8  }
0x45: {  	v8 =	vld [tilespmem:s12+$0x50];
	_ =	sdelay $0x4  }
0x46: {  	v8 =	vshrl.u32 v8, $0x1  }
0x47: {  	[tilespmem:$0x64D0] =	vst v8  }
0x48: {  	v8 =	vld [tilespmem:s12+$0x60];
	_ =	sdelay $0x4  }
0x49: {  	v8 =	vshrl.u32 v8, $0x1  }
0x4a: {  	[tilespmem:$0x64E0] =	vst v8  }
0x4b: {  	v8 =	vld [tilespmem:s12+$0x70];
	_ =	sdelay $0x4  }
0x4c: {  	s30 =	sshll.u32 s10, $0x1;
	v8 =	vshrl.u32 v8, $0x1  }
0x4d: {  	s14 =	simm.s32 $0x6480;
	s12 =	sshll.u32 s30, $0x7;
	[tilespmem:$0x64F0] =	vst v8  }
0x4e: {  	[tilespmem:s15], [sflag:$0x2] =	stream.indirect.gather [hbm4b:s5+s11], $0x80, s14, s11, $0xb8;
	[tilespmem:$0x16500] =	vst v63  }
0x4f: {  	s23 =	simm.s32 $0x0;
	v9 =	vmov s12;
	_ =	swait.ge [sflag:s16], $0x4000  }
0x50: {  	p0 =	seq.s32 s10, $0x0;
	s30 =	simm.s32 $0x3;
	v8 =	vor.u32 s23, v9;
	[sflag:s16] =	ssyncset.done $0x0  }
0x51: {  	s22 =	simm.s32 $0x2;
	s12 =	simm.s32 @!p0 $0x3;
	v10 =	vor.u32 s30, v9;
	[sflag:s16] =	ssyncadd.s32 $0xFFFFC000  }
0x52: {  	v11 =	vor.u32 s22, v9;
	_ =	swait.ge @!p0 [sflag:s12], $0x2000  }
0x53: {  	s21 =	simm.s32 $0x1;
	[sflag:s12] =	ssyncset.done @!p0 $0x0  }
0x54: {  	v12 =	vor.u32 s21, v9;
	[sflag:s12] =	ssyncadd.s32 @!p0 $0xFFFFE000  }
0x55: {  	v8 =	vld.idx.msk [tilespmem:v8+s3+$0x0], $0xffff  }
0x56: {  	v10 =	vld.idx.msk [tilespmem:v10+s3+$0x0], $0xffff  }
0x57: {  	v11 =	vld.idx.msk [tilespmem:v11+s3+$0x0], $0xffff;
	_ =	sdelay $0x1  }
0x58: {  	v13 =	vmov s23;
	v12 =	vld.idx.msk [tilespmem:v12+s3+$0x0], $0xffff  }
0x59: {  	v17 =	vmov s21;
	v13 =	vshll.u32 v13, $0x7;
	s12 =	simm.s32 $0x4;
	v8 =	vshll.u32 v8, $0x6  }
0x5a: {  	v14 =	vor.u32 s12, v9;
	v10 =	vshll.u32 v10, $0x6;
	v8 =	vand.u32 $0x40, v8  }
0x5b: {  	v11 =	vshll.u32 v11, $0x6;
	v13 =	vor.u32 v13, v8;
	v8 =	vmov s30  }
0x5c: {  	v10 =	vand.u32 $0x40, v10;
	v8 =	vshll.u32 v8, $0x7;
	v15 =	vor.u32 v0, v13  }
0x5d: {  	v12 =	vshll.u32 v12, $0x6;
	v16 =	vor.u32 v8, v10;
	v8 =	vmov s22  }
0x5e: {  	v11 =	vand.u32 $0x40, v11;
	v10 =	vor.u32 v0, v16;
	v8 =	vshll.u32 v8, $0x7  }
0x5f: {  	v17 =	vshll.u32 v17, $0x7;
	v12 =	vand.u32 $0x40, v12;
	v18 =	vor.u32 v8, v11  }
0x60: {  	v17 =	vor.u32 v17, v12;
	v8 =	vor.u32 v0, v18  }
0x61: {  	s14 =	simm.s32 $0x7;
	v12 =	vor.u32 v0, v17;
	v11 =	vld.idx.msk [tilespmem:v15+s13+$0x0], $0xffff  }
0x62: {  	s19 =	simm.s32 $0x5;
	v20 =	vor.u32 s14, v9;
	v14 =	vld.idx.msk [tilespmem:v14+s3+$0x0], $0xffff  }
0x63: {  	v27 =	vor.u32 s19, v9;
	v15 =	vor.u32 s23, v1;
	v10 =	vld.idx.msk [tilespmem:v10+s13+$0x0], $0xffff  }
0x64: {  	s18 =	simm.s32 $0x6;
	v19 =	vor.u32 v2, v13  }
0x65: {  	v25 =	vor.u32 s22, v1;
	v21 =	vor.u32 s30, v1;
	v24 =	vor.u32 s18, v9;
	v8 =	vld.idx.msk [tilespmem:v8+s13+$0x0], $0xffff  }
0x66: {  	v23 =	vmov s12;
	v22 =	vor.u32 v2, v16;
	v12 =	vld.idx.msk [tilespmem:v12+s13+$0x0], $0xffff;
	v11 =	vmul.f32 $8.000000000e+00, v11  }
0x67: {  	v30 =	vor.u32 s21, v3;
	v20 =	vld.idx.msk [tilespmem:v20+s3+$0x0], $0xffff;
	v23 =	vshll.u32 v23, $0x7;
	v14 =	vshll.u32 v14, $0x6  }
0x68: {  	v27 =	vld.idx.msk [tilespmem:v27+s3+$0x0], $0xffff;
	[tilespmem:v15+s17+$0x0] =	vst.idx.msk $0xffff, v11;
	v11 =	vor.u32 s21, v1;
	v15 =	vor.u32 v2, v18;
	v10 =	vmul.f32 $8.000000000e+00, v10  }
0x69: {  	v26 =	vor.u32 v2, v17;
	v29 =	vor.u32 v4, v16;
	v14 =	vand.u32 $0x40, v14;
	v19 =	vld.idx.msk [tilespmem:v19+s13+$0x0], $0xffff  }
0x6a: {  	v32 =	vor.u32 s12, v1;
	v28 =	vmul.f32 $8.000000000e+00, v8;
	[tilespmem:v21+s17+$0x0] =	vst.idx.msk $0xffff, v10;
	v8 =	vor.u32 v23, v14;
	v14 =	vld.idx.msk [tilespmem:v24+s3+$0x0], $0xffff  }
0x6b: {  	v31 =	vor.u32 v4, v18;
	v10 =	vmul.f32 $8.000000000e+00, v12;
	v12 =	vld.idx.msk [tilespmem:v22+s13+$0x0], $0xffff;
	v22 =	vor.u32 s23, v3  }
0x6c: {  	s20 =	simm.s32 $0x8;
	v20 =	vshll.u32 v20, $0x6;
	v23 =	vor.u32 v6, v13;
	v13 =	vor.u32 v4, v13;
	[tilespmem:v25+s17+$0x0] =	vst.idx.msk $0xffff, v28  }
0x6d: {  	v20 =	vand.u32 $0x40, v20;
	v24 =	vor.u32 s20, v9;
	[tilespmem:v11+s17+$0x0] =	vst.idx.msk $0xffff, v10;
	v11 =	vld.idx.msk [tilespmem:v15+s13+$0x0], $0xffff;
	v15 =	vor.u32 v0, v8  }
0x6e: {  	v10 =	vmov s14;
	v25 =	vld.idx.msk [tilespmem:v26+s13+$0x0], $0xffff;
	v19 =	vmul.f32 $8.000000000e+00, v19;
	v26 =	vor.u32 s30, v3  }
0x6f: {  	v21 =	vor.u32 s23, v5;
	v28 =	vor.u32 s22, v3;
	v10 =	vshll.u32 v10, $0x7  }
0x70: {  	v10 =	vor.u32 v10, v20;
	v20 =	vmov s18;
	v14 =	vshll.u32 v14, $0x6;
	[tilespmem:v22+s17+$0x0] =	vst.idx.msk $0xffff, v19  }
0x71: {  	v19 =	vor.u32 v4, v17;
	v12 =	vmul.f32 $8.000000000e+00, v12;
	v22 =	vor.u32 v0, v10;
	v13 =	vld.idx.msk [tilespmem:v13+s13+$0x0], $0xffff  }
0x72: {  	v20 =	vshll.u32 v20, $0x7;
	v14 =	vand.u32 $0x40, v14;
	v11 =	vmul.f32 $8.000000000e+00, v11;
	v15 =	vld.idx.msk [tilespmem:v15+s13+$0x0], $0xffff  }
0x73: {  	v25 =	vmul.f32 $8.000000000e+00, v25;
	[tilespmem:v26+s17+$0x0] =	vst.idx.msk $0xffff, v12;
	v26 =	vld.idx.msk [tilespmem:v24+s3+$0x0], $0xffff;
	v12 =	vmov s19;
	v24 =	vshll.u32 v27, $0x6  }
0x74: {  	[tilespmem:v28+s17+$0x0] =	vst.idx.msk $0xffff, v11;
	v11 =	vand.u32 $0x40, v24;
	v24 =	vshll.u32 v12, $0x7;
	v12 =	vor.u32 v20, v14  }
0x75: {  	v16 =	vor.u32 v6, v16;
	v36 =	vor.u32 v2, v8;
	v27 =	vld.idx.msk [tilespmem:v29+s13+$0x0], $0xffff;
	v20 =	vor.u32 v0, v12  }
0x76: {  	[tilespmem:v30+s17+$0x0] =	vst.idx.msk $0xffff, v25;
	v25 =	vld.idx.msk [tilespmem:v31+s13+$0x0], $0xffff;
	v11 =	vor.u32 v24, v11;
	v24 =	vmul.f32 $8.000000000e+00, v13  }
0x77: {  	v34 =	vor.u32 v6, v18;
	v30 =	vor.u32 s30, v5;
	v19 =	vld.idx.msk [tilespmem:v19+s13+$0x0], $0xffff;
	v28 =	vor.u32 v0, v11  }
0x78: {  	v14 =	vor.u32 s23, v7;
	s23 =	simm.s32 $0xB;
	v31 =	vor.u32 s22, v5;
	v33 =	vld.idx.msk [tilespmem:v22+s13+$0x0], $0xffff;
	v15 =	vmul.f32 $8.000000000e+00, v15;
	[tilespmem:v21+s17+$0x0] =	vst.idx.msk $0xffff, v24  }
0x79: {  	v18 =	vmov s20;
	v22 =	vor.u32 s21, v5;
	v29 =	vor.u32 s23, v9;
	v35 =	vld.idx.msk [tilespmem:v23+s13+$0x0], $0xffff  }
0x7a: {  	v13 =	vor.u32 s12, v5;
	v23 =	vor.u32 v6, v17;
	v17 =	vmul.f32 $8.000000000e+00, v27;
	[tilespmem:v32+s17+$0x0] =	vst.idx.msk $0xffff, v15;
	v20 =	vld.idx.msk [tilespmem:v20+s13+$0x0], $0xffff  }
0x7b: {  	v24 =	vshll.u32 v18, $0x7;
	v27 =	vor.u32 s14, v1;
	v21 =	vmul.f32 $8.000000000e+00, v25;
	v15 =	vld.idx.msk [tilespmem:v36+s13+$0x0], $0xffff  }
0x7c: {  	s24 =	simm.s32 $0xA;
	v25 =	vshll.u32 v26, $0x6;
	v18 =	vld.idx.msk [tilespmem:v28+s13+$0x0], $0xffff;
	v19 =	vmul.f32 $8.000000000e+00, v19;
	[tilespmem:v30+s17+$0x0] =	vst.idx.msk $0xffff, v17;
	v17 =	vor.u32 v2, v10  }
0x7d: {  	v30 =	vor.u32 s24, v9;
	[tilespmem:v31+s17+$0x0] =	vst.idx.msk $0xffff, v21;
	v21 =	vld.idx.msk [tilespmem:v16+s13+$0x0], $0xffff;
	v31 =	vand.u32 $0x40, v25;
	v25 =	vor.u32 s18, v1  }
0x7e: {  	v26 =	vor.u32 s19, v1;
	v32 =	vmul.f32 $8.000000000e+00, v33;
	v16 =	vor.u32 v2, v12;
	[tilespmem:v22+s17+$0x0] =	vst.idx.msk $0xffff, v19;
	v22 =	vld.idx.msk [tilespmem:v34+s13+$0x0], $0xffff  }
0x7f: {  	s29 =	simm.s32 $0x9;
	s31 =	simm.s32 $0xC;
	v28 =	vor.u32 s30, v7;
	v19 =	vor.u32 v2, v11;
	v23 =	vld.idx.msk [tilespmem:v23+s13+$0x0], $0xffff;
	v33 =	vmul.f32 $8.000000000e+00, v35  }
.LBB2_3:
0x80: {  	p1 =	slt.u32 s31, $0x7C;
	v34 =	vor.u32 s29, v9;
	v29 =	vld.idx.msk [tilespmem:v29+s3+$0x0], $0xffff;
	v20 =	vmul.f32 $8.000000000e+00, v20;
	[tilespmem:v27+s17+$0x0] =	vst.idx.msk $0xffff, v32;
	v27 =	vor.u32 s22, v7;
	s30 =	smov.u32 s23;
	s22 =	smov.u32 s18  }
0x81: {  	v24 =	vor.u32 v24, v31;
	v18 =	vmul.f32 $8.000000000e+00, v18;
	s18 =	smov.u32 s24;
	v17 =	vld.idx.msk [tilespmem:v17+s13+$0x0], $0xffff;
	[tilespmem:v14+s17+$0x0] =	vst.idx.msk $0xffff, v33;
	v14 =	vor.u32 s21, v7;
	s21 =	smov.u32 s19;
	s19 =	smov.u32 s29  }
0x82: {  	v31 =	vor.u32 s12, v3;
	v32 =	vor.u32 v6, v8;
	v30 =	vld.idx.msk [tilespmem:v30+s3+$0x0], $0xffff;
	[tilespmem:v25+s17+$0x0] =	vst.idx.msk $0xffff, v20;
	v20 =	vmul.f32 $8.000000000e+00, v21  }
0x83: {  	v21 =	vor.u32 s31, v9;
	v25 =	vor.u32 v4, v8;
	[tilespmem:v26+s17+$0x0] =	vst.idx.msk $0xffff, v18;
	v16 =	vld.idx.msk [tilespmem:v16+s13+$0x0], $0xffff;
	v18 =	vmul.f32 $8.000000000e+00, v22  }
0x84: {  	v8 =	vmovc v24;
	v22 =	vor.u32 v0, v24;
	v26 =	vmov s30;
	v23 =	vmul.f32 $8.000000000e+00, v23;
	v19 =	vld.idx.msk [tilespmem:v19+s13+$0x0], $0xffff;
	[tilespmem:v28+s17+$0x0] =	vst.idx.msk $0xffff, v20  }
0x85: {  	v24 =	vshll.u32 v26, $0x7;
	v15 =	vmul.f32 $8.000000000e+00, v15;
	v26 =	vor.u32 s14, v3;
	v20 =	vld.idx.msk [tilespmem:v34+s3+$0x0], $0xffff;
	[tilespmem:v27+s17+$0x0] =	vst.idx.msk $0xffff, v18  }
0x86: {  	v28 =	vor.u32 v4, v10;
	v18 =	vshll.u32 v29, $0x6;
	v27 =	vor.u32 s22, v3;
	[tilespmem:v14+s17+$0x0] =	vst.idx.msk $0xffff, v23  }
0x87: {  	v14 =	vand.u32 $0x40, v18;
	v18 =	vor.u32 v4, v12;
	[tilespmem:v31+s17+$0x0] =	vst.idx.msk $0xffff, v15;
	v15 =	vor.u32 s21, v3  }
0x88: {  	v23 =	vor.u32 v24, v14;
	v14 =	vmul.f32 $8.000000000e+00, v17;
	v24 =	vld.idx.msk [tilespmem:v25+s13+$0x0], $0xffff;
	v25 =	vor.u32 v4, v11  }
0x89: {  	v17 =	vmov s18;
	v29 =	vor.u32 v0, v23;
	v16 =	vmul.f32 $8.000000000e+00, v16  }
0x8a: {  	v30 =	vshll.u32 v30, $0x6;
	v17 =	vshll.u32 v17, $0x7;
	v19 =	vmul.f32 $8.000000000e+00, v19;
	v21 =	vld.idx.msk [tilespmem:v21+s3+$0x0], $0xffff;
	[tilespmem:v26+s17+$0x0] =	vst.idx.msk $0xffff, v14  }
0x8b: {  	v14 =	vmov s19;
	v20 =	vshll.u32 v20, $0x6;
	v26 =	vand.u32 $0x40, v30;
	[tilespmem:v27+s17+$0x0] =	vst.idx.msk $0xffff, v16;
	v16 =	vld.idx.msk [tilespmem:v28+s13+$0x0], $0xffff  }
0x8c: {  	v20 =	vand.u32 $0x40, v20;
	v14 =	vshll.u32 v14, $0x7;
	v17 =	vor.u32 v17, v26;
	[tilespmem:v15+s17+$0x0] =	vst.idx.msk $0xffff, v19;
	v15 =	vld.idx.msk [tilespmem:v18+s13+$0x0], $0xffff  }
0x8d: {  	v18 =	vor.u32 v14, v20;
	v19 =	vor.u32 v0, v17;
	v14 =	vor.u32 s12, v7;
	s12 =	smov.u32 s20;
	s20 =	smov.u32 s31;
	v25 =	vld.idx.msk [tilespmem:v25+s13+$0x0], $0xffff  }
0x8e: {  	v28 =	vor.u32 s14, v5;
	v26 =	vor.u32 v0, v18;
	v20 =	vmul.f32 $8.000000000e+00, v24;
	v22 =	vld.idx.msk [tilespmem:v22+s13+$0x0], $0xffff  }
0x8f: {  	v31 =	vor.u32 v6, v10;
	v10 =	vmovc v23;
	v30 =	vor.u32 s22, v5;
	v27 =	vor.u32 s12, v5  }
0x90: {  	v35 =	vor.u32 v6, v12;
	v34 =	vor.u32 s21, v5;
	v23 =	vor.u32 s12, v1;
	v33 =	vld.idx.msk [tilespmem:v29+s13+$0x0], $0xffff;
	[tilespmem:v13+s17+$0x0] =	vst.idx.msk $0xffff, v20  }
0x91: {  	v37 =	vor.u32 v6, v11;
	v12 =	vmovc v17;
	v11 =	vmovc v18;
	v29 =	vmov s31;
	v16 =	vmul.f32 $8.000000000e+00, v16;
	v36 =	vld.idx.msk [tilespmem:v32+s13+$0x0], $0xffff  }
0x92: {  	s23 =	sadd.s32 $0x3, s31;
	v38 =	vor.u32 v2, v8;
	v13 =	vmovc v27;
	v24 =	vshll.u32 v29, $0x7;
	v15 =	vmul.f32 $8.000000000e+00, v15;
	v20 =	vld.idx.msk [tilespmem:v19+s13+$0x0], $0xffff  }
.Ltmp0:
0x93: {  	v27 =	vor.u32 s30, v1;
	v29 =	vor.u32 s23, v9;
	v19 =	vmul.f32 $8.000000000e+00, v25;
	v18 =	vld.idx.msk [tilespmem:v26+s13+$0x0], $0xffff;
	[tilespmem:v28+s17+$0x0] =	vst.idx.msk $0xffff, v16;
	(pc) =	sbr.rel @p1 .LBB2_3-.Ltmp0, $4  }
0x94: {  	s24 =	sadd.s32 $0x2, s31;
	v17 =	vor.u32 v2, v10;
	v16 =	vshll.u32 v21, $0x6;
	v26 =	vmul.f32 $8.000000000e+00, v22;
	[tilespmem:v30+s17+$0x0] =	vst.idx.msk $0xffff, v15;
	v21 =	vld.idx.msk [tilespmem:v31+s13+$0x0], $0xffff  }
0x95: {  	v25 =	vor.u32 s18, v1;
	v31 =	vand.u32 $0x40, v16;
	v30 =	vor.u32 s24, v9;
	[tilespmem:v34+s17+$0x0] =	vst.idx.msk $0xffff, v19;
	v22 =	vld.idx.msk [tilespmem:v35+s13+$0x0], $0xffff  }
0x96: {  	v16 =	vor.u32 v2, v12;
	v32 =	vmul.f32 $8.000000000e+00, v33;
	[tilespmem:v23+s17+$0x0] =	vst.idx.msk $0xffff, v26;
	v26 =	vor.u32 s19, v1;
	v23 =	vld.idx.msk [tilespmem:v37+s13+$0x0], $0xffff  }
0x97: {  	s29 =	sadd.s32 $0x1, s20;
	s31 =	sadd.s32 $0x4, s31;
	v28 =	vor.u32 s14, v7;
	s14 =	smov.u32 s30;
	v19 =	vor.u32 v2, v11;
	v33 =	vmul.f32 $8.000000000e+00, v36;
	v15 =	vld.idx.msk [tilespmem:v38+s13+$0x0], $0xffff  }
0x98: {  	_ = 	snop  }
0x99: {  	v9 =	vor.u32 s29, v9;
	_ =	sdelay $0x2  }
0x9a: {  	v30 =	vld.idx.msk [tilespmem:v30+s3+$0x0], $0xffff  }
0x9b: {  	v29 =	vld.idx.msk [tilespmem:v29+s3+$0x0], $0xffff  }
0x9c: {  	v9 =	vld.idx.msk [tilespmem:v9+s3+$0x0], $0xffff  }
0x9d: {  	v34 =	vmov s23;
	v24 =	vor.u32 v24, v31  }
0x9e: {  	v51 =	vmov s24;
	v36 =	vmov s29;
	v49 =	vshll.u32 v34, $0x7  }
0x9f: {  	v50 =	vor.u32 v0, v24;
	v31 =	vshll.u32 v51, $0x7;
	v30 =	vshll.u32 v30, $0x6  }
0xa0: {  	v36 =	vshll.u32 v36, $0x7;
	v29 =	vshll.u32 v29, $0x6;
	v30 =	vand.u32 $0x40, v30  }
0xa1: {  	v29 =	vand.u32 $0x40, v29;
	v30 =	vor.u32 v31, v30;
	v9 =	vshll.u32 v9, $0x6  }
0xa2: {  	v29 =	vor.u32 v49, v29;
	v31 =	vor.u32 v0, v30;
	v9 =	vand.u32 $0x40, v9  }
0xa3: {  	v35 =	vor.u32 v0, v29;
	v9 =	vor.u32 v36, v9  }
0xa4: {  	v36 =	vor.u32 v0, v9  }
0xa5: {  	[tilespmem:v27+s17+$0x0] =	vst.idx.msk $0xffff, v32;
	v20 =	vmul.f32 $8.000000000e+00, v20;
	v41 =	vor.u32 s12, v3;
	v53 =	vld.idx.msk [tilespmem:v50+s13+$0x0], $0xffff  }
0xa6: {  	v52 =	vor.u32 s22, v7;
	v54 =	vmul.f32 $8.000000000e+00, v18;
	v44 =	vor.u32 v4, v8;
	[tilespmem:v14+s17+$0x0] =	vst.idx.msk $0xffff, v33  }
0xa7: {  	v58 =	vor.u32 s20, v1;
	v57 =	vmul.f32 $8.000000000e+00, v21;
	[tilespmem:v25+s17+$0x0] =	vst.idx.msk $0xffff, v20;
	v59 =	vld.idx.msk [tilespmem:v31+s13+$0x0], $0xffff  }
0xa8: {  	v55 =	vor.u32 s21, v7;
	v61 =	vor.u32 v2, v24;
	[tilespmem:v26+s17+$0x0] =	vst.idx.msk $0xffff, v54;
	v15 =	vmul.f32 $8.000000000e+00, v15;
	v56 =	vld.idx.msk [tilespmem:v35+s13+$0x0], $0xffff  }
0xa9: {  	v37 =	vor.u32 s24, v1;
	v60 =	vmul.f32 $8.000000000e+00, v22;
	[tilespmem:v28+s17+$0x0] =	vst.idx.msk $0xffff, v57;
	v62 =	vld.idx.msk [tilespmem:v36+s13+$0x0], $0xffff  }
0xaa: {  	v63 =	vor.u32 s23, v1;
	v16 =	vld.idx.msk [tilespmem:v16+s13+$0x0], $0xffff;
	[tilespmem:v41+s17+$0x0] =	vst.idx.msk $0xffff, v15;
	v40 =	vor.u32 v2, v30;
	v38 =	vmul.f32 $8.000000000e+00, v53  }
0xab: {  	v39 =	vor.u32 s29, v1;
	v23 =	vmul.f32 $8.000000000e+00, v23;
	[tilespmem:v52+s17+$0x0] =	vst.idx.msk $0xffff, v60;
	v14 =	vld.idx.msk [tilespmem:v44+s13+$0x0], $0xffff;
	v36 =	vor.u32 v2, v29  }
0xac: {  	v46 =	vor.u32 s18, v3;
	v17 =	vld.idx.msk [tilespmem:v17+s13+$0x0], $0xffff;
	v43 =	vor.u32 v2, v9;
	[tilespmem:v58+s17+$0x0] =	vst.idx.msk $0xffff, v38;
	v25 =	vmul.f32 $8.000000000e+00, v59  }
0xad: {  	[tilespmem:v55+s17+$0x0] =	vst.idx.msk $0xffff, v23;
	v49 =	vor.u32 v4, v12;
	v22 =	vld.idx.msk [tilespmem:v61+s13+$0x0], $0xffff;
	v42 =	vmul.f32 $8.000000000e+00, v56  }
0xae: {  	v45 =	vor.u32 s14, v3;
	v8 =	vor.u32 v6, v8;
	v19 =	vld.idx.msk [tilespmem:v19+s13+$0x0], $0xffff;
	[tilespmem:v37+s17+$0x0] =	vst.idx.msk $0xffff, v25;
	v26 =	vmul.f32 $8.000000000e+00, v62  }
0xaf: {  	v47 =	vor.u32 v4, v10;
	v51 =	vor.u32 s20, v3;
	v52 =	vmul.f32 $8.000000000e+00, v16;
	[tilespmem:v63+s17+$0x0] =	vst.idx.msk $0xffff, v42;
	v32 =	vld.idx.msk [tilespmem:v40+s13+$0x0], $0xffff  }
0xb0: {  	v48 =	vor.u32 s19, v3;
	v53 =	vor.u32 v4, v24;
	v14 =	vmul.f32 $8.000000000e+00, v14;
	v20 =	vld.idx.msk [tilespmem:v36+s13+$0x0], $0xffff;
	[tilespmem:v39+s17+$0x0] =	vst.idx.msk $0xffff, v26  }
0xb1: {  	v50 =	vor.u32 v4, v11;
	v17 =	vmul.f32 $8.000000000e+00, v17;
	[tilespmem:v46+s17+$0x0] =	vst.idx.msk $0xffff, v52;
	v56 =	vor.u32 s24, v3;
	v54 =	vld.idx.msk [tilespmem:v43+s13+$0x0], $0xffff  }
0xb2: {  	v55 =	vor.u32 s23, v3;
	v60 =	vor.u32 v4, v30;
	v61 =	vld.idx.msk [tilespmem:v49+s13+$0x0], $0xffff;
	[tilespmem:v13+s17+$0x0] =	vst.idx.msk $0xffff, v14;
	v22 =	vmul.f32 $8.000000000e+00, v22  }
0xb3: {  	v19 =	vmul.f32 $8.000000000e+00, v19;
	[tilespmem:v45+s17+$0x0] =	vst.idx.msk $0xffff, v17;
	v57 =	vor.u32 v4, v29;
	v8 =	vld.idx.msk [tilespmem:v8+s13+$0x0], $0xffff;
	v59 =	vor.u32 s29, v3  }
0xb4: {  	v34 =	vor.u32 s18, v5;
	v58 =	vld.idx.msk [tilespmem:v47+s13+$0x0], $0xffff;
	[tilespmem:v51+s17+$0x0] =	vst.idx.msk $0xffff, v22;
	v62 =	vor.u32 v4, v9;
	v32 =	vmul.f32 $8.000000000e+00, v32  }
0xb5: {  	[tilespmem:v48+s17+$0x0] =	vst.idx.msk $0xffff, v19;
	v52 =	vor.u32 s12, v7;
	v16 =	vld.idx.msk [tilespmem:v53+s13+$0x0], $0xffff;
	v20 =	vmul.f32 $8.000000000e+00, v20  }
0xb6: {  	v63 =	vor.u32 s14, v5;
	v37 =	vor.u32 v6, v12;
	v26 =	vld.idx.msk [tilespmem:v50+s13+$0x0], $0xffff;
	[tilespmem:v56+s17+$0x0] =	vst.idx.msk $0xffff, v32;
	v18 =	vmul.f32 $8.000000000e+00, v54  }
0xb7: {  	v35 =	vor.u32 v6, v10;
	v42 =	vmul.f32 $8.000000000e+00, v61;
	v39 =	vor.u32 s20, v5;
	v41 =	vld.idx.msk [tilespmem:v60+s13+$0x0], $0xffff;
	[tilespmem:v55+s17+$0x0] =	vst.idx.msk $0xffff, v20  }
0xb8: {  	v8 =	vmul.f32 $8.000000000e+00, v8;
	v36 =	vor.u32 s19, v5;
	v43 =	vor.u32 v6, v24;
	v38 =	vld.idx.msk [tilespmem:v57+s13+$0x0], $0xffff;
	[tilespmem:v59+s17+$0x0] =	vst.idx.msk $0xffff, v18  }
0xb9: {  	v47 =	vor.u32 s24, v5;
	v15 =	vmul.f32 $8.000000000e+00, v58;
	v40 =	vor.u32 v6, v11;
	[tilespmem:v34+s17+$0x0] =	vst.idx.msk $0xffff, v42;
	v44 =	vld.idx.msk [tilespmem:v62+s13+$0x0], $0xffff  }
0xba: {  	v45 =	vor.u32 s23, v5;
	v51 =	vor.u32 v6, v30;
	[tilespmem:v52+s17+$0x0] =	vst.idx.msk $0xffff, v8;
	v49 =	vmul.f32 $8.000000000e+00, v16  }
0xbb: {  	v48 =	vor.u32 v6, v29;
	[tilespmem:v63+s17+$0x0] =	vst.idx.msk $0xffff, v15;
	v50 =	vor.u32 s29, v5;
	v12 =	vld.idx.msk [tilespmem:v37+s13+$0x0], $0xffff;
	v46 =	vmul.f32 $8.000000000e+00, v26  }
0xbc: {  	v9 =	vor.u32 v6, v9;
	v10 =	vld.idx.msk [tilespmem:v35+s13+$0x0], $0xffff;
	[tilespmem:v39+s17+$0x0] =	vst.idx.msk $0xffff, v49;
	v54 =	vmul.f32 $8.000000000e+00, v41  }
0xbd: {  	v55 =	vor.u32 s18, v7;
	v14 =	vld.idx.msk [tilespmem:v43+s13+$0x0], $0xffff;
	[tilespmem:v36+s17+$0x0] =	vst.idx.msk $0xffff, v46;
	v17 =	vmul.f32 $8.000000000e+00, v38  }
0xbe: {  	v53 =	vor.u32 s14, v7;
	v11 =	vld.idx.msk [tilespmem:v40+s13+$0x0], $0xffff;
	[tilespmem:v47+s17+$0x0] =	vst.idx.msk $0xffff, v54;
	v19 =	vmul.f32 $8.000000000e+00, v44  }
0xbf: {  	v58 =	vor.u32 s20, v7;
	v59 =	vld.idx.msk [tilespmem:v51+s13+$0x0], $0xffff;
	[tilespmem:v45+s17+$0x0] =	vst.idx.msk $0xffff, v17  }
0xc0: {  	v56 =	vor.u32 s19, v7;
	v8 =	vmul.f32 $8.000000000e+00, v12;
	v57 =	vld.idx.msk [tilespmem:v48+s13+$0x0], $0xffff;
	[tilespmem:v50+s17+$0x0] =	vst.idx.msk $0xffff, v19  }
0xc1: {  	v61 =	vor.u32 s24, v7;
	v10 =	vmul.f32 $8.000000000e+00, v10;
	v9 =	vld.idx.msk [tilespmem:v9+s13+$0x0], $0xffff  }
0xc2: {  	v60 =	vor.u32 s23, v7;
	[tilespmem:v55+s17+$0x0] =	vst.idx.msk $0xffff, v8;
	v8 =	vmul.f32 $8.000000000e+00, v14  }
0xc3: {  	[tilespmem:v53+s17+$0x0] =	vst.idx.msk $0xffff, v10;
	v62 =	vor.u32 s29, v7;
	v11 =	vmul.f32 $8.000000000e+00, v11  }
0xc4: {  	[tilespmem:v58+s17+$0x0] =	vst.idx.msk $0xffff, v8;
	v8 =	vmul.f32 $8.000000000e+00, v59  }
0xc5: {  	s23 =	sshll.u32 s10, $0x13;
	[tilespmem:v56+s17+$0x0] =	vst.idx.msk $0xffff, v11;
	v63 =	vmul.f32 $8.000000000e+00, v57  }
0xc6: {  	s12 =	sor.u32 s4, s23;
	[tilespmem:v61+s17+$0x0] =	vst.idx.msk $0xffff, v8;
	v9 =	vmul.f32 $8.000000000e+00, v9  }
0xc7: {  	s12 =	sshrl.u32 s12, $0x3;
	[tilespmem:v60+s17+$0x0] =	vst.idx.msk $0xffff, v63  }
0xc8: {  	s12 =	sadd.s32 s1, s12;
	[tilespmem:v62+s17+$0x0] =	vst.idx.msk $0xffff, v9  }
0xc9: {  	[hbm4b:s12+s3] =	stream.linear.scatter [tilespmem:s17], [sflag:$0x3], $0x400, $0x38;
	[tilespmem:$0x16500] =	vst v63  }
0xca: {  	s24 =	sadd.s32 $0x1000, s12;
	s29 =	simm.s32 $0xED00  }
0xcb: {  	[hbm4b:s24+s3] =	stream.linear.scatter [tilespmem:s29], [sflag:$0x3], $0x400, $0x38;
	[tilespmem:$0x16500] =	vst v63  }
0xcc: {  	s31 =	simm.s32 $0xF500;
	s30 =	sadd.s32 $0x2000, s12  }
0xcd: {  	[hbm4b:s30+s3] =	stream.linear.scatter [tilespmem:s31], [sflag:$0x3], $0x400, $0x38;
	[tilespmem:$0x16500] =	vst v63  }
0xce: {  	s20 =	simm.s32 $0xFD00;
	s19 =	sadd.s32 $0x3000, s12  }
0xcf: {  	[hbm4b:s19+s3] =	stream.linear.scatter [tilespmem:s20], [sflag:$0x3], $0x400, $0x38;
	[tilespmem:$0x16500] =	vst v63  }
0xd0: {  	s22 =	simm.s32 $0x10500;
	s21 =	sadd.s32 $0x4000, s12  }
0xd1: {  	[hbm4b:s21+s3] =	stream.linear.scatter [tilespmem:s22], [sflag:$0x3], $0x400, $0x38;
	[tilespmem:$0x16500] =	vst v63  }
0xd2: {  	p1 =	sne.s32 s10, $0x63;
	s23 =	sadd.s32 $0x5000, s12;
	s24 =	simm.s32 $0x10D00  }
0xd3: {  	[hbm4b:s23+s3] =	stream.linear.scatter [tilespmem:s24], [sflag:$0x3], $0x400, $0x38;
	[tilespmem:$0x16500] =	vst v63  }
.Ltmp1:
0xd4: {  	_ = 	snop;
	(pc) =	sbr.rel @p1 .LBB2_6-.Ltmp1, $4  }
0xd5: {  	s29 =	sadd.s32 $0x6000, s12;
	s30 =	simm.s32 $0x11500  }
0xd6: {  	[hbm4b:s29+s3] =	stream.linear.scatter [tilespmem:s30], [sflag:$0x3], $0x400, $0x38;
	[tilespmem:$0x16500] =	vst v63  }
0xd7: {  	s12 =	sadd.s32 $0x7000, s12;
	s31 =	simm.s32 $0x11D00  }
0xd8: {  	[hbm4b:s12+s3] =	stream.linear.scatter [tilespmem:s31], [sflag:$0x3], $0x400, $0x38;
	[tilespmem:$0x16500] =	vst v63  }
.Ltmp2:
0xd9: {  	(pc) =	sbr.rel .LBB2_7-.Ltmp2, $4  }
0xda: {  	_ = 	snop  }
0xdb: {  	_ =	swait.ge [sflag:s25], $0x4000  }
0xdc: {  	[sflag:s25] =	ssyncset.done $0x0  }
0xdd: {  	[sflag:s25] =	ssyncadd.s32 $0xFFFFC000  }
.LBB2_6:
0xde: {  	s12 =	sshll.u32 s10, $0x8  }
0xdf: {  	s12 =	sand.u32 $0x3FFFFF00, s12  }
0xe0: {  	v8 =	vld [tilespmem:s12+$0x100];
	_ =	sdelay $0x4  }
0xe1: {  	v8 =	vshrl.u32 v8, $0x1  }
0xe2: {  	[tilespmem:$0x6400] =	vst v8  }
0xe3: {  	v8 =	vld [tilespmem:s12+$0x110];
	_ =	sdelay $0x4  }
0xe4: {  	v8 =	vshrl.u32 v8, $0x1  }
0xe5: {  	[tilespmem:$0x6410] =	vst v8  }
0xe6: {  	v8 =	vld [tilespmem:s12+$0x120];
	_ =	sdelay $0x4  }
0xe7: {  	v8 =	vshrl.u32 v8, $0x1  }
0xe8: {  	[tilespmem:$0x6420] =	vst v8  }
0xe9: {  	v8 =	vld [tilespmem:s12+$0x130];
	_ =	sdelay $0x4  }
0xea: {  	v8 =	vshrl.u32 v8, $0x1  }
0xeb: {  	[tilespmem:$0x6430] =	vst v8  }
0xec: {  	v8 =	vld [tilespmem:s12+$0x140];
	_ =	sdelay $0x4  }
0xed: {  	v8 =	vshrl.u32 v8, $0x1  }
0xee: {  	[tilespmem:$0x6440] =	vst v8  }
0xef: {  	v8 =	vld [tilespmem:s12+$0x150];
	_ =	sdelay $0x4  }
0xf0: {  	v8 =	vshrl.u32 v8, $0x1  }
0xf1: {  	[tilespmem:$0x6450] =	vst v8  }
0xf2: {  	v8 =	vld [tilespmem:s12+$0x160];
	_ =	sdelay $0x4  }
0xf3: {  	v8 =	vshrl.u32 v8, $0x1  }
0xf4: {  	[tilespmem:$0x6460] =	vst v8  }
0xf5: {  	v8 =	vld [tilespmem:s12+$0x170];
	_ =	sdelay $0x4  }
0xf6: {  	v8 =	vshrl.u32 v8, $0x1  }
.Ltmp3:
0xf7: {  	s31 =	simm.s32 $0x6400;
	[tilespmem:$0x6470] =	vst v8;
	(pc) =	sbr.rel @p0 .LBB2_8-.Ltmp3, $4  }
0xf8: {  	[tilespmem:s13], [sflag:$0x1] =	stream.indirect.gather [hbm4b:s5+s11], $0x80, s31, s11, $0xb8;
	[tilespmem:$0x16500] =	vst v63  }
0xf9: {  	_ =	swait.ge [sflag:s25], $0x4000  }
0xfa: {  	[sflag:s25] =	ssyncset.done $0x0  }
0xfb: {  	[sflag:s25] =	ssyncadd.s32 $0xFFFFC000  }
.LBB2_7:
0xfc: {  	_ =	swait.ge [sflag:s26], $0x2000  }
0xfd: {  	[sflag:s26] =	ssyncset.done $0x0  }
0xfe: {  	[sflag:s26] =	ssyncadd.s32 $0xFFFFE000  }
.LBB2_8:
0xff: {  	v10 =	vmov s7;
	s22 =	simm.s32 $0x0  }
0x100: {  	s29 =	simm.s32 $0x3;
	v8 =	vor.u32 s22, v10  }
0x101: {  	s21 =	simm.s32 $0x2;
	v9 =	vor.u32 s29, v10  }
0x102: {  	v11 =	vor.u32 s21, v10  }
0x103: {  	s20 =	simm.s32 $0x1  }
0x104: {  	v12 =	vor.u32 s20, v10  }
0x105: {  	v8 =	vld.idx.msk [tilespmem:v8+s3+$0x0], $0xffff  }
0x106: {  	v9 =	vld.idx.msk [tilespmem:v9+s3+$0x0], $0xffff  }
0x107: {  	v11 =	vld.idx.msk [tilespmem:v11+s3+$0x0], $0xffff;
	_ =	sdelay $0x1  }
0x108: {  	s7 =	simm.s32 $0x4;
	v13 =	vmov s22;
	v12 =	vld.idx.msk [tilespmem:v12+s3+$0x0], $0xffff  }
0x109: {  	v14 =	vor.u32 s7, v10;
	v17 =	vmov s20;
	v8 =	vshll.u32 v8, $0x6  }
0x10a: {  	v13 =	vshll.u32 v13, $0x7;
	v9 =	vshll.u32 v9, $0x6;
	v8 =	vand.u32 $0x40, v8  }
0x10b: {  	v11 =	vshll.u32 v11, $0x6;
	v13 =	vor.u32 v13, v8;
	v8 =	vmov s29  }
0x10c: {  	v9 =	vand.u32 $0x40, v9;
	v8 =	vshll.u32 v8, $0x7;
	v15 =	vor.u32 v0, v13  }
0x10d: {  	v12 =	vshll.u32 v12, $0x6;
	v16 =	vor.u32 v8, v9;
	v8 =	vmov s21  }
0x10e: {  	v11 =	vand.u32 $0x40, v11;
	v9 =	vor.u32 v0, v16;
	v8 =	vshll.u32 v8, $0x7  }
0x10f: {  	v17 =	vshll.u32 v17, $0x7;
	v12 =	vand.u32 $0x40, v12;
	v18 =	vor.u32 v8, v11  }
0x110: {  	v17 =	vor.u32 v17, v12;
	v8 =	vor.u32 v0, v18  }
0x111: {  	s12 =	simm.s32 $0x7;
	v12 =	vor.u32 v0, v17;
	v11 =	vld.idx.msk [tilespmem:v15+s15+$0x0], $0xffff  }
0x112: {  	s18 =	simm.s32 $0x5;
	v20 =	vor.u32 s12, v10;
	v14 =	vld.idx.msk [tilespmem:v14+s3+$0x0], $0xffff  }
0x113: {  	v27 =	vor.u32 s18, v10;
	v15 =	vor.u32 s22, v1;
	v9 =	vld.idx.msk [tilespmem:v9+s15+$0x0], $0xffff  }
0x114: {  	s14 =	simm.s32 $0x6;
	v19 =	vor.u32 v2, v13  }
0x115: {  	v21 =	vor.u32 s29, v1;
	v23 =	vmov s7;
	v24 =	vor.u32 s14, v10;
	v8 =	vld.idx.msk [tilespmem:v8+s15+$0x0], $0xffff  }
0x116: {  	v25 =	vor.u32 s21, v1;
	v22 =	vor.u32 v2, v16;
	v12 =	vld.idx.msk [tilespmem:v12+s15+$0x0], $0xffff;
	v11 =	vmul.f32 $8.000000000e+00, v11  }
0x117: {  	v30 =	vor.u32 s20, v3;
	v23 =	vshll.u32 v23, $0x7;
	v20 =	vld.idx.msk [tilespmem:v20+s3+$0x0], $0xffff;
	v14 =	vshll.u32 v14, $0x6  }
0x118: {  	v27 =	vld.idx.msk [tilespmem:v27+s3+$0x0], $0xffff;
	[tilespmem:v15+s28+$0x0] =	vst.idx.msk $0xffff, v11;
	v11 =	vor.u32 s20, v1;
	v15 =	vor.u32 v2, v18;
	v9 =	vmul.f32 $8.000000000e+00, v9  }
0x119: {  	v14 =	vand.u32 $0x40, v14;
	v26 =	vor.u32 v2, v17;
	v29 =	vor.u32 v4, v16;
	v19 =	vld.idx.msk [tilespmem:v19+s15+$0x0], $0xffff  }
0x11a: {  	v32 =	vor.u32 s7, v1;
	v28 =	vmul.f32 $8.000000000e+00, v8;
	[tilespmem:v21+s28+$0x0] =	vst.idx.msk $0xffff, v9;
	v8 =	vor.u32 v23, v14;
	v14 =	vld.idx.msk [tilespmem:v24+s3+$0x0], $0xffff  }
0x11b: {  	v31 =	vor.u32 v4, v18;
	v9 =	vmul.f32 $8.000000000e+00, v12;
	v12 =	vld.idx.msk [tilespmem:v22+s15+$0x0], $0xffff;
	v22 =	vor.u32 s22, v3  }
0x11c: {  	s19 =	simm.s32 $0x8;
	v20 =	vshll.u32 v20, $0x6;
	v23 =	vor.u32 v6, v13;
	v13 =	vor.u32 v4, v13;
	[tilespmem:v25+s28+$0x0] =	vst.idx.msk $0xffff, v28  }
0x11d: {  	v20 =	vand.u32 $0x40, v20;
	v24 =	vor.u32 s19, v10;
	[tilespmem:v11+s28+$0x0] =	vst.idx.msk $0xffff, v9;
	v11 =	vld.idx.msk [tilespmem:v15+s15+$0x0], $0xffff;
	v15 =	vor.u32 v0, v8  }
0x11e: {  	v9 =	vmov s12;
	v25 =	vld.idx.msk [tilespmem:v26+s15+$0x0], $0xffff;
	v19 =	vmul.f32 $8.000000000e+00, v19;
	v26 =	vor.u32 s29, v3  }
0x11f: {  	v21 =	vor.u32 s22, v5;
	v28 =	vor.u32 s21, v3;
	v9 =	vshll.u32 v9, $0x7  }
0x120: {  	v9 =	vor.u32 v9, v20;
	v20 =	vmov s14;
	v14 =	vshll.u32 v14, $0x6;
	[tilespmem:v22+s28+$0x0] =	vst.idx.msk $0xffff, v19  }
0x121: {  	v19 =	vor.u32 v4, v17;
	v12 =	vmul.f32 $8.000000000e+00, v12;
	v22 =	vor.u32 v0, v9;
	v13 =	vld.idx.msk [tilespmem:v13+s15+$0x0], $0xffff  }
0x122: {  	v20 =	vshll.u32 v20, $0x7;
	v14 =	vand.u32 $0x40, v14;
	v11 =	vmul.f32 $8.000000000e+00, v11;
	v15 =	vld.idx.msk [tilespmem:v15+s15+$0x0], $0xffff  }
0x123: {  	v25 =	vmul.f32 $8.000000000e+00, v25;
	[tilespmem:v26+s28+$0x0] =	vst.idx.msk $0xffff, v12;
	v26 =	vld.idx.msk [tilespmem:v24+s3+$0x0], $0xffff;
	v12 =	vmov s18;
	v24 =	vshll.u32 v27, $0x6  }
0x124: {  	[tilespmem:v28+s28+$0x0] =	vst.idx.msk $0xffff, v11;
	v11 =	vand.u32 $0x40, v24;
	v24 =	vshll.u32 v12, $0x7;
	v12 =	vor.u32 v20, v14  }
0x125: {  	v16 =	vor.u32 v6, v16;
	v36 =	vor.u32 v2, v8;
	v27 =	vld.idx.msk [tilespmem:v29+s15+$0x0], $0xffff;
	v20 =	vor.u32 v0, v12  }
0x126: {  	[tilespmem:v30+s28+$0x0] =	vst.idx.msk $0xffff, v25;
	v25 =	vld.idx.msk [tilespmem:v31+s15+$0x0], $0xffff;
	v11 =	vor.u32 v24, v11;
	v24 =	vmul.f32 $8.000000000e+00, v13  }
0x127: {  	v34 =	vor.u32 v6, v18;
	v30 =	vor.u32 s29, v5;
	v19 =	vld.idx.msk [tilespmem:v19+s15+$0x0], $0xffff;
	v28 =	vor.u32 v0, v11  }
0x128: {  	v14 =	vor.u32 s22, v7;
	s22 =	simm.s32 $0xB;
	v31 =	vor.u32 s21, v5;
	v33 =	vld.idx.msk [tilespmem:v22+s15+$0x0], $0xffff;
	v15 =	vmul.f32 $8.000000000e+00, v15;
	[tilespmem:v21+s28+$0x0] =	vst.idx.msk $0xffff, v24  }
0x129: {  	v18 =	vmov s19;
	v22 =	vor.u32 s20, v5;
	v29 =	vor.u32 s22, v10;
	v35 =	vld.idx.msk [tilespmem:v23+s15+$0x0], $0xffff  }
0x12a: {  	v13 =	vor.u32 s7, v5;
	v23 =	vor.u32 v6, v17;
	v17 =	vmul.f32 $8.000000000e+00, v27;
	[tilespmem:v32+s28+$0x0] =	vst.idx.msk $0xffff, v15;
	v20 =	vld.idx.msk [tilespmem:v20+s15+$0x0], $0xffff  }
0x12b: {  	v24 =	vshll.u32 v18, $0x7;
	v27 =	vor.u32 s12, v1;
	v21 =	vmul.f32 $8.000000000e+00, v25;
	v15 =	vld.idx.msk [tilespmem:v36+s15+$0x0], $0xffff  }
0x12c: {  	s23 =	simm.s32 $0xA;
	v25 =	vshll.u32 v26, $0x6;
	v18 =	vld.idx.msk [tilespmem:v28+s15+$0x0], $0xffff;
	v19 =	vmul.f32 $8.000000000e+00, v19;
	[tilespmem:v30+s28+$0x0] =	vst.idx.msk $0xffff, v17;
	v17 =	vor.u32 v2, v9  }
0x12d: {  	v30 =	vor.u32 s23, v10;
	[tilespmem:v31+s28+$0x0] =	vst.idx.msk $0xffff, v21;
	v21 =	vld.idx.msk [tilespmem:v16+s15+$0x0], $0xffff;
	v31 =	vand.u32 $0x40, v25;
	v25 =	vor.u32 s14, v1  }
0x12e: {  	v26 =	vor.u32 s18, v1;
	v32 =	vmul.f32 $8.000000000e+00, v33;
	v16 =	vor.u32 v2, v12;
	[tilespmem:v22+s28+$0x0] =	vst.idx.msk $0xffff, v19;
	v22 =	vld.idx.msk [tilespmem:v34+s15+$0x0], $0xffff  }
0x12f: {  	s24 =	simm.s32 $0x9;
	s30 =	simm.s32 $0xC;
	v28 =	vor.u32 s29, v7;
	v19 =	vor.u32 v2, v11;
	v23 =	vld.idx.msk [tilespmem:v23+s15+$0x0], $0xffff;
	v33 =	vmul.f32 $8.000000000e+00, v35  }
.LBB2_9:
0x130: {  	p0 =	slt.u32 s30, $0x7C;
	v34 =	vor.u32 s24, v10;
	v29 =	vld.idx.msk [tilespmem:v29+s3+$0x0], $0xffff;
	v20 =	vmul.f32 $8.000000000e+00, v20;
	[tilespmem:v27+s28+$0x0] =	vst.idx.msk $0xffff, v32;
	v27 =	vor.u32 s21, v7;
	s29 =	smov.u32 s22;
	s21 =	smov.u32 s14  }
0x131: {  	v24 =	vor.u32 v24, v31;
	v18 =	vmul.f32 $8.000000000e+00, v18;
	s14 =	smov.u32 s23;
	v17 =	vld.idx.msk [tilespmem:v17+s15+$0x0], $0xffff;
	[tilespmem:v14+s28+$0x0] =	vst.idx.msk $0xffff, v33;
	v14 =	vor.u32 s20, v7;
	s20 =	smov.u32 s18;
	s18 =	smov.u32 s24  }
0x132: {  	v31 =	vor.u32 s7, v3;
	v32 =	vor.u32 v6, v8;
	v30 =	vld.idx.msk [tilespmem:v30+s3+$0x0], $0xffff;
	[tilespmem:v25+s28+$0x0] =	vst.idx.msk $0xffff, v20;
	v20 =	vmul.f32 $8.000000000e+00, v21  }
0x133: {  	v21 =	vor.u32 s30, v10;
	v25 =	vor.u32 v4, v8;
	[tilespmem:v26+s28+$0x0] =	vst.idx.msk $0xffff, v18;
	v16 =	vld.idx.msk [tilespmem:v16+s15+$0x0], $0xffff;
	v18 =	vmul.f32 $8.000000000e+00, v22  }
0x134: {  	v8 =	vmovc v24;
	v22 =	vor.u32 v0, v24;
	v26 =	vmov s29;
	v23 =	vmul.f32 $8.000000000e+00, v23;
	v19 =	vld.idx.msk [tilespmem:v19+s15+$0x0], $0xffff;
	[tilespmem:v28+s28+$0x0] =	vst.idx.msk $0xffff, v20  }
0x135: {  	v24 =	vshll.u32 v26, $0x7;
	v15 =	vmul.f32 $8.000000000e+00, v15;
	v26 =	vor.u32 s12, v3;
	v20 =	vld.idx.msk [tilespmem:v34+s3+$0x0], $0xffff;
	[tilespmem:v27+s28+$0x0] =	vst.idx.msk $0xffff, v18  }
0x136: {  	v28 =	vor.u32 v4, v9;
	v18 =	vshll.u32 v29, $0x6;
	v27 =	vor.u32 s21, v3;
	[tilespmem:v14+s28+$0x0] =	vst.idx.msk $0xffff, v23  }
0x137: {  	v14 =	vand.u32 $0x40, v18;
	v18 =	vor.u32 v4, v12;
	[tilespmem:v31+s28+$0x0] =	vst.idx.msk $0xffff, v15;
	v15 =	vor.u32 s20, v3  }
0x138: {  	v23 =	vor.u32 v24, v14;
	v14 =	vmul.f32 $8.000000000e+00, v17;
	v24 =	vld.idx.msk [tilespmem:v25+s15+$0x0], $0xffff;
	v25 =	vor.u32 v4, v11  }
0x139: {  	v17 =	vmov s14;
	v29 =	vor.u32 v0, v23;
	v16 =	vmul.f32 $8.000000000e+00, v16  }
0x13a: {  	v30 =	vshll.u32 v30, $0x6;
	v17 =	vshll.u32 v17, $0x7;
	v19 =	vmul.f32 $8.000000000e+00, v19;
	v21 =	vld.idx.msk [tilespmem:v21+s3+$0x0], $0xffff;
	[tilespmem:v26+s28+$0x0] =	vst.idx.msk $0xffff, v14  }
0x13b: {  	v14 =	vmov s18;
	v20 =	vshll.u32 v20, $0x6;
	v26 =	vand.u32 $0x40, v30;
	[tilespmem:v27+s28+$0x0] =	vst.idx.msk $0xffff, v16;
	v16 =	vld.idx.msk [tilespmem:v28+s15+$0x0], $0xffff  }
0x13c: {  	v20 =	vand.u32 $0x40, v20;
	v14 =	vshll.u32 v14, $0x7;
	v17 =	vor.u32 v17, v26;
	[tilespmem:v15+s28+$0x0] =	vst.idx.msk $0xffff, v19;
	v15 =	vld.idx.msk [tilespmem:v18+s15+$0x0], $0xffff  }
0x13d: {  	v18 =	vor.u32 v14, v20;
	v19 =	vor.u32 v0, v17;
	v14 =	vor.u32 s7, v7;
	s7 =	smov.u32 s19;
	s19 =	smov.u32 s30;
	v25 =	vld.idx.msk [tilespmem:v25+s15+$0x0], $0xffff  }
0x13e: {  	v28 =	vor.u32 s12, v5;
	v26 =	vor.u32 v0, v18;
	v20 =	vmul.f32 $8.000000000e+00, v24;
	v22 =	vld.idx.msk [tilespmem:v22+s15+$0x0], $0xffff  }
0x13f: {  	v31 =	vor.u32 v6, v9;
	v9 =	vmovc v23;
	v30 =	vor.u32 s21, v5;
	v27 =	vor.u32 s7, v5  }
0x140: {  	v35 =	vor.u32 v6, v12;
	v34 =	vor.u32 s20, v5;
	v23 =	vor.u32 s7, v1;
	v33 =	vld.idx.msk [tilespmem:v29+s15+$0x0], $0xffff;
	[tilespmem:v13+s28+$0x0] =	vst.idx.msk $0xffff, v20  }
0x141: {  	v37 =	vor.u32 v6, v11;
	v12 =	vmovc v17;
	v11 =	vmovc v18;
	v29 =	vmov s30;
	v16 =	vmul.f32 $8.000000000e+00, v16;
	v36 =	vld.idx.msk [tilespmem:v32+s15+$0x0], $0xffff  }
0x142: {  	s22 =	sadd.s32 $0x3, s30;
	v38 =	vor.u32 v2, v8;
	v13 =	vmovc v27;
	v24 =	vshll.u32 v29, $0x7;
	v15 =	vmul.f32 $8.000000000e+00, v15;
	v20 =	vld.idx.msk [tilespmem:v19+s15+$0x0], $0xffff  }
.Ltmp4:
0x143: {  	v27 =	vor.u32 s29, v1;
	v29 =	vor.u32 s22, v10;
	v19 =	vmul.f32 $8.000000000e+00, v25;
	v18 =	vld.idx.msk [tilespmem:v26+s15+$0x0], $0xffff;
	[tilespmem:v28+s28+$0x0] =	vst.idx.msk $0xffff, v16;
	(pc) =	sbr.rel @p0 .LBB2_9-.Ltmp4, $4  }
0x144: {  	s23 =	sadd.s32 $0x2, s30;
	v17 =	vor.u32 v2, v9;
	v16 =	vshll.u32 v21, $0x6;
	v26 =	vmul.f32 $8.000000000e+00, v22;
	[tilespmem:v30+s28+$0x0] =	vst.idx.msk $0xffff, v15;
	v21 =	vld.idx.msk [tilespmem:v31+s15+$0x0], $0xffff  }
0x145: {  	v25 =	vor.u32 s14, v1;
	v31 =	vand.u32 $0x40, v16;
	v30 =	vor.u32 s23, v10;
	[tilespmem:v34+s28+$0x0] =	vst.idx.msk $0xffff, v19;
	v22 =	vld.idx.msk [tilespmem:v35+s15+$0x0], $0xffff  }
0x146: {  	v16 =	vor.u32 v2, v12;
	v32 =	vmul.f32 $8.000000000e+00, v33;
	[tilespmem:v23+s28+$0x0] =	vst.idx.msk $0xffff, v26;
	v26 =	vor.u32 s18, v1;
	v23 =	vld.idx.msk [tilespmem:v37+s15+$0x0], $0xffff  }
0x147: {  	s24 =	sadd.s32 $0x1, s19;
	s30 =	sadd.s32 $0x4, s30;
	v28 =	vor.u32 s12, v7;
	s12 =	smov.u32 s29;
	v19 =	vor.u32 v2, v11;
	v33 =	vmul.f32 $8.000000000e+00, v36;
	v15 =	vld.idx.msk [tilespmem:v38+s15+$0x0], $0xffff  }
0x148: {  	_ = 	snop  }
0x149: {  	v10 =	vor.u32 s24, v10;
	_ =	sdelay $0x2  }
0x14a: {  	v30 =	vld.idx.msk [tilespmem:v30+s3+$0x0], $0xffff  }
0x14b: {  	v29 =	vld.idx.msk [tilespmem:v29+s3+$0x0], $0xffff  }
0x14c: {  	v10 =	vld.idx.msk [tilespmem:v10+s3+$0x0], $0xffff  }
0x14d: {  	v34 =	vmov s22;
	v24 =	vor.u32 v24, v31  }
0x14e: {  	v51 =	vmov s23;
	v36 =	vmov s24;
	v49 =	vshll.u32 v34, $0x7  }
0x14f: {  	v50 =	vor.u32 v0, v24;
	v31 =	vshll.u32 v51, $0x7;
	v30 =	vshll.u32 v30, $0x6  }
0x150: {  	v36 =	vshll.u32 v36, $0x7;
	v29 =	vshll.u32 v29, $0x6;
	v30 =	vand.u32 $0x40, v30  }
0x151: {  	v29 =	vand.u32 $0x40, v29;
	v30 =	vor.u32 v31, v30;
	v10 =	vshll.u32 v10, $0x6  }
0x152: {  	v29 =	vor.u32 v49, v29;
	v31 =	vor.u32 v0, v30;
	v10 =	vand.u32 $0x40, v10  }
0x153: {  	v35 =	vor.u32 v0, v29;
	v10 =	vor.u32 v36, v10  }
0x154: {  	v36 =	vor.u32 v0, v10  }
0x155: {  	[tilespmem:v27+s28+$0x0] =	vst.idx.msk $0xffff, v32;
	v20 =	vmul.f32 $8.000000000e+00, v20;
	v41 =	vor.u32 s7, v3;
	v53 =	vld.idx.msk [tilespmem:v50+s15+$0x0], $0xffff  }
0x156: {  	v52 =	vor.u32 s21, v7;
	v54 =	vmul.f32 $8.000000000e+00, v18;
	v44 =	vor.u32 v4, v8;
	[tilespmem:v14+s28+$0x0] =	vst.idx.msk $0xffff, v33  }
0x157: {  	v58 =	vor.u32 s19, v1;
	v57 =	vmul.f32 $8.000000000e+00, v21;
	[tilespmem:v25+s28+$0x0] =	vst.idx.msk $0xffff, v20;
	v59 =	vld.idx.msk [tilespmem:v31+s15+$0x0], $0xffff  }
0x158: {  	v55 =	vor.u32 s20, v7;
	v61 =	vor.u32 v2, v24;
	[tilespmem:v26+s28+$0x0] =	vst.idx.msk $0xffff, v54;
	v15 =	vmul.f32 $8.000000000e+00, v15;
	v56 =	vld.idx.msk [tilespmem:v35+s15+$0x0], $0xffff  }
0x159: {  	v37 =	vor.u32 s23, v1;
	v60 =	vmul.f32 $8.000000000e+00, v22;
	[tilespmem:v28+s28+$0x0] =	vst.idx.msk $0xffff, v57;
	v62 =	vld.idx.msk [tilespmem:v36+s15+$0x0], $0xffff  }
0x15a: {  	v63 =	vor.u32 s22, v1;
	v16 =	vld.idx.msk [tilespmem:v16+s15+$0x0], $0xffff;
	[tilespmem:v41+s28+$0x0] =	vst.idx.msk $0xffff, v15;
	v40 =	vor.u32 v2, v30;
	v38 =	vmul.f32 $8.000000000e+00, v53  }
0x15b: {  	v39 =	vor.u32 s24, v1;
	v23 =	vmul.f32 $8.000000000e+00, v23;
	[tilespmem:v52+s28+$0x0] =	vst.idx.msk $0xffff, v60;
	v14 =	vld.idx.msk [tilespmem:v44+s15+$0x0], $0xffff;
	v36 =	vor.u32 v2, v29  }
0x15c: {  	v46 =	vor.u32 s14, v3;
	v17 =	vld.idx.msk [tilespmem:v17+s15+$0x0], $0xffff;
	v43 =	vor.u32 v2, v10;
	[tilespmem:v58+s28+$0x0] =	vst.idx.msk $0xffff, v38;
	v25 =	vmul.f32 $8.000000000e+00, v59  }
0x15d: {  	[tilespmem:v55+s28+$0x0] =	vst.idx.msk $0xffff, v23;
	v49 =	vor.u32 v4, v12;
	v22 =	vld.idx.msk [tilespmem:v61+s15+$0x0], $0xffff;
	v42 =	vmul.f32 $8.000000000e+00, v56  }
0x15e: {  	v45 =	vor.u32 s12, v3;
	v8 =	vor.u32 v6, v8;
	v19 =	vld.idx.msk [tilespmem:v19+s15+$0x0], $0xffff;
	[tilespmem:v37+s28+$0x0] =	vst.idx.msk $0xffff, v25;
	v26 =	vmul.f32 $8.000000000e+00, v62  }
0x15f: {  	v47 =	vor.u32 v4, v9;
	v51 =	vor.u32 s19, v3;
	v52 =	vmul.f32 $8.000000000e+00, v16;
	[tilespmem:v63+s28+$0x0] =	vst.idx.msk $0xffff, v42;
	v32 =	vld.idx.msk [tilespmem:v40+s15+$0x0], $0xffff  }
0x160: {  	v48 =	vor.u32 s18, v3;
	v53 =	vor.u32 v4, v24;
	v14 =	vmul.f32 $8.000000000e+00, v14;
	v20 =	vld.idx.msk [tilespmem:v36+s15+$0x0], $0xffff;
	[tilespmem:v39+s28+$0x0] =	vst.idx.msk $0xffff, v26  }
0x161: {  	v50 =	vor.u32 v4, v11;
	v17 =	vmul.f32 $8.000000000e+00, v17;
	[tilespmem:v46+s28+$0x0] =	vst.idx.msk $0xffff, v52;
	v56 =	vor.u32 s23, v3;
	v54 =	vld.idx.msk [tilespmem:v43+s15+$0x0], $0xffff  }
0x162: {  	v55 =	vor.u32 s22, v3;
	v60 =	vor.u32 v4, v30;
	v61 =	vld.idx.msk [tilespmem:v49+s15+$0x0], $0xffff;
	[tilespmem:v13+s28+$0x0] =	vst.idx.msk $0xffff, v14;
	v22 =	vmul.f32 $8.000000000e+00, v22  }
0x163: {  	v19 =	vmul.f32 $8.000000000e+00, v19;
	[tilespmem:v45+s28+$0x0] =	vst.idx.msk $0xffff, v17;
	v57 =	vor.u32 v4, v29;
	v8 =	vld.idx.msk [tilespmem:v8+s15+$0x0], $0xffff;
	v59 =	vor.u32 s24, v3  }
0x164: {  	v34 =	vor.u32 s14, v5;
	v58 =	vld.idx.msk [tilespmem:v47+s15+$0x0], $0xffff;
	[tilespmem:v51+s28+$0x0] =	vst.idx.msk $0xffff, v22;
	v62 =	vor.u32 v4, v10;
	v32 =	vmul.f32 $8.000000000e+00, v32  }
0x165: {  	[tilespmem:v48+s28+$0x0] =	vst.idx.msk $0xffff, v19;
	v52 =	vor.u32 s7, v7;
	v16 =	vld.idx.msk [tilespmem:v53+s15+$0x0], $0xffff;
	v20 =	vmul.f32 $8.000000000e+00, v20  }
0x166: {  	v63 =	vor.u32 s12, v5;
	v37 =	vor.u32 v6, v12;
	v26 =	vld.idx.msk [tilespmem:v50+s15+$0x0], $0xffff;
	[tilespmem:v56+s28+$0x0] =	vst.idx.msk $0xffff, v32;
	v18 =	vmul.f32 $8.000000000e+00, v54  }
0x167: {  	v35 =	vor.u32 v6, v9;
	v42 =	vmul.f32 $8.000000000e+00, v61;
	v39 =	vor.u32 s19, v5;
	v41 =	vld.idx.msk [tilespmem:v60+s15+$0x0], $0xffff;
	[tilespmem:v55+s28+$0x0] =	vst.idx.msk $0xffff, v20  }
0x168: {  	v8 =	vmul.f32 $8.000000000e+00, v8;
	v36 =	vor.u32 s18, v5;
	v43 =	vor.u32 v6, v24;
	v38 =	vld.idx.msk [tilespmem:v57+s15+$0x0], $0xffff;
	[tilespmem:v59+s28+$0x0] =	vst.idx.msk $0xffff, v18  }
0x169: {  	v47 =	vor.u32 s23, v5;
	v15 =	vmul.f32 $8.000000000e+00, v58;
	v40 =	vor.u32 v6, v11;
	[tilespmem:v34+s28+$0x0] =	vst.idx.msk $0xffff, v42;
	v44 =	vld.idx.msk [tilespmem:v62+s15+$0x0], $0xffff  }
0x16a: {  	v45 =	vor.u32 s22, v5;
	v51 =	vor.u32 v6, v30;
	[tilespmem:v52+s28+$0x0] =	vst.idx.msk $0xffff, v8;
	v49 =	vmul.f32 $8.000000000e+00, v16  }
0x16b: {  	v48 =	vor.u32 v6, v29;
	[tilespmem:v63+s28+$0x0] =	vst.idx.msk $0xffff, v15;
	v50 =	vor.u32 s24, v5;
	v12 =	vld.idx.msk [tilespmem:v37+s15+$0x0], $0xffff;
	v46 =	vmul.f32 $8.000000000e+00, v26  }
0x16c: {  	v10 =	vor.u32 v6, v10;
	v9 =	vld.idx.msk [tilespmem:v35+s15+$0x0], $0xffff;
	[tilespmem:v39+s28+$0x0] =	vst.idx.msk $0xffff, v49;
	v54 =	vmul.f32 $8.000000000e+00, v41  }
0x16d: {  	v55 =	vor.u32 s14, v7;
	v14 =	vld.idx.msk [tilespmem:v43+s15+$0x0], $0xffff;
	[tilespmem:v36+s28+$0x0] =	vst.idx.msk $0xffff, v46;
	v17 =	vmul.f32 $8.000000000e+00, v38  }
0x16e: {  	v53 =	vor.u32 s12, v7;
	v11 =	vld.idx.msk [tilespmem:v40+s15+$0x0], $0xffff;
	[tilespmem:v47+s28+$0x0] =	vst.idx.msk $0xffff, v54;
	v19 =	vmul.f32 $8.000000000e+00, v44  }
0x16f: {  	v58 =	vor.u32 s19, v7;
	v59 =	vld.idx.msk [tilespmem:v51+s15+$0x0], $0xffff;
	[tilespmem:v45+s28+$0x0] =	vst.idx.msk $0xffff, v17  }
0x170: {  	v56 =	vor.u32 s18, v7;
	v8 =	vmul.f32 $8.000000000e+00, v12;
	v57 =	vld.idx.msk [tilespmem:v48+s15+$0x0], $0xffff;
	[tilespmem:v50+s28+$0x0] =	vst.idx.msk $0xffff, v19  }
0x171: {  	v61 =	vor.u32 s23, v7;
	v9 =	vmul.f32 $8.000000000e+00, v9;
	v10 =	vld.idx.msk [tilespmem:v10+s15+$0x0], $0xffff  }
0x172: {  	v60 =	vor.u32 s22, v7;
	[tilespmem:v55+s28+$0x0] =	vst.idx.msk $0xffff, v8;
	v8 =	vmul.f32 $8.000000000e+00, v14  }
0x173: {  	[tilespmem:v53+s28+$0x0] =	vst.idx.msk $0xffff, v9;
	v62 =	vor.u32 s24, v7;
	v11 =	vmul.f32 $8.000000000e+00, v11  }
0x174: {  	[tilespmem:v58+s28+$0x0] =	vst.idx.msk $0xffff, v8;
	v8 =	vmul.f32 $8.000000000e+00, v59  }
0x175: {  	s6 =	sshll.u32 s6, $0x12;
	[tilespmem:v56+s28+$0x0] =	vst.idx.msk $0xffff, v11;
	v63 =	vmul.f32 $8.000000000e+00, v57  }
0x176: {  	s6 =	sor.u32 s4, s6;
	[tilespmem:v61+s28+$0x0] =	vst.idx.msk $0xffff, v8;
	v10 =	vmul.f32 $8.000000000e+00, v10  }
0x177: {  	s6 =	sshrl.u32 s6, $0x3;
	[tilespmem:v60+s28+$0x0] =	vst.idx.msk $0xffff, v63  }
0x178: {  	s6 =	sadd.s32 s1, s6;
	[tilespmem:v62+s28+$0x0] =	vst.idx.msk $0xffff, v10  }
0x179: {  	[hbm4b:s6+s3] =	stream.linear.scatter [tilespmem:s28], [sflag:$0x4], $0x400, $0x38;
	[tilespmem:$0x16500] =	vst v63  }
0x17a: {  	s20 =	simm.s32 $0x12D00;
	s19 =	sadd.s32 $0x1000, s6  }
0x17b: {  	[hbm4b:s19+s3] =	stream.linear.scatter [tilespmem:s20], [sflag:$0x4], $0x400, $0x38;
	[tilespmem:$0x16500] =	vst v63  }
0x17c: {  	s21 =	sadd.s32 $0x2000, s6;
	s22 =	simm.s32 $0x13500  }
0x17d: {  	[hbm4b:s21+s3] =	stream.linear.scatter [tilespmem:s22], [sflag:$0x4], $0x400, $0x38;
	[tilespmem:$0x16500] =	vst v63  }
0x17e: {  	s23 =	sadd.s32 $0x3000, s6;
	s24 =	simm.s32 $0x13D00  }
0x17f: {  	[hbm4b:s23+s3] =	stream.linear.scatter [tilespmem:s24], [sflag:$0x4], $0x400, $0x38;
	[tilespmem:$0x16500] =	vst v63  }
0x180: {  	s10 =	sadd.s32 $0x1, s10;
	s29 =	sadd.s32 $0x4000, s6  }
0x181: {  	[hbm4b:s29+s3] =	stream.linear.scatter [tilespmem:s0], [sflag:$0x4], $0x400, $0x38;
	[tilespmem:$0x16500] =	vst v63  }
0x182: {  	p0 =	sne.s32 s10, $0x64;
	s30 =	sadd.s32 $0x5000, s6  }
0x183: {  	[hbm4b:s30+s3] =	stream.linear.scatter [tilespmem:s2], [sflag:$0x4], $0x400, $0x38;
	[tilespmem:$0x16500] =	vst v63  }
.Ltmp5:
0x184: {  	_ = 	snop;
	(pc) =	sbr.rel @p0 .LBB2_2-.Ltmp5, $4  }
0x185: {  	s31 =	sadd.s32 $0x6000, s6  }
0x186: {  	[hbm4b:s31+s3] =	stream.linear.scatter [tilespmem:s8], [sflag:$0x4], $0x400, $0x38;
	[tilespmem:$0x16500] =	vst v63  }
0x187: {  	s6 =	sadd.s32 $0x7000, s6  }
0x188: {  	[hbm4b:s6+s3] =	stream.linear.scatter [tilespmem:s9], [sflag:$0x4], $0x400, $0x38;
	[tilespmem:$0x16500] =	vst v63  }
0x189: {  	s6 =	simm.s32 $0x3  }
0x18a: {  	_ =	swait.ge [sflag:s6], $0x2000  }
0x18b: {  	[sflag:s6] =	ssyncset.done $0x0  }
0x18c: {  	[sflag:s6] =	ssyncadd.s32 $0xFFFFE000  }
0x18d: {  	_ =	swait.ge [sflag:s26], $0x2000  }
0x18e: {  	s7 =	rddreg [dreg:$0x6]  }
0x18f: {  	s31 =	rddreg [dreg:$0x5];
	s7 =	sadd.s32 $0x1, s7  }
0x190: {  	p0 =	sne.s32 s7, s31  }
.Ltmp6:
0x191: {  	_ = 	snop;
	(pc) =	sbr.rel @p0 .LBB2_1-.Ltmp6, $3  }
0x192: {  	_ =	sdelay $0x1  }
0x193: {  	[sflag:s26] =	ssyncset.done $0x0  }
0x194: {  	[sflag:s26] =	ssyncadd.s32 $0xFFFFE000  }
0x195: {  	_ =	sfence.sel $0x180000  }
0x196: {  	[bflag:$0x0] =	sbarrier.arrive $0xFFFF  }
0x197: {  	_ =	strace $0x90000047  }
0x198: {  	s0 =	stileid.u32;
	[bflag:$0x2] =	sbarrier.arrive $0xFFFF  }
0x199: {  	p0 =	sne.s32 s0, $0x0;
	s0 =	rddreg [dreg:$0x3]  }
0x19a: {  	s0 =	sadd.s32 @!p0 $0x100000, s0  }
0x19b: {  	[sflag:s0] =	ssyncadd.tile.s32 @!p0 $0x1;
	_ =	shalt  }
.Lfunc_end2:
_tile_overlayer_lowered:
.L_overlay_start_2:
0x19c: {  	(tag) =	ssettag $0x2  }
0x19d: {  	s0 =	rddreg [dreg:$0x0];
	s2 =	stileid.u32  }
0x19e: {  	s1 =	rddreg [dreg:$0x1];
	p0 =	sne.s32 s2, $0x0  }
0x19f: {  	s3 =	rddreg [dreg:$0x2];
	[bflag:$0x3] =	sbarrier.arrive $0xFFFF;
	s2 =	simm.s32 @!p0 $0x1C05  }
0x1a0: {  	[timem:s3], [sflag:s2] =	dma.local @!p0 [hbm:s0], s1  }
0x1a1: {  	s0 =	simm.s32 @!p0 $0x5  }
0x1a2: {  	_ =	swait.ge @!p0 [sflag:s0], s1  }
0x1a3: {  	s1 =	ssub.s32 @!p0 $0x0, s1;
	[sflag:s0] =	ssyncset.done @!p0 $0x0  }
0x1a4: {  	[sflag:s0] =	ssyncadd.s32 @!p0 s1  }
0x1a5: {  	[bflag:$0x3] =	sbarrier.arrive $0xFFFF  }
0x1a6: {  	_ =	shalt  }

</sc_bundles>
